<compile_context>
chip_gen: v7x
topology: tpu7x:2x2x1
jax: 0.10.2.dev20260603
libtpu: 0.0.44.dev20260713+nightly
codegen_flags: <defaults>
</compile_context>

<pallas_src>
import dataclasses
import functools

import jax
import jax.numpy as jnp
from jax import lax
from jax.experimental import pallas as pl
from jax.experimental.pallas import tpu as pltpu
from jax.experimental.pallas import tpu_sc as plsc

N = 50000
E = 800000
D = 32
D_REVIEW = 64

NC = 2
NS = 16
NW = NC * NS
L = 16

C = 1280
NCHUNKS = E // C
G = C // L
NPAIR = NCHUNKS // 2
NPAD = 50176
HLEN = 50048
HSTEP = 2944
OSTEP = 6272


def _sc_scatter(hT, rfwT, src, dst, w):
    mesh = plsc.VectorSubcoreMesh(core_axis_name="c", subcore_axis_name="s")
    cp = pltpu.CompilerParams()
    if "needs_layout_passes" in pltpu.CompilerParams.__dataclass_fields__:
        cp = dataclasses.replace(cp, needs_layout_passes=False)

    @functools.partial(
        pl.kernel,
        out_type=jax.ShapeDtypeStruct((D, 1, NPAD), jnp.float32),
        mesh=mesh,
        compiler_params=cp,
        scratch_types=[
            pltpu.VMEM((HLEN,), jnp.float32),
            pltpu.VMEM((NPAD,), jnp.float32),
            pltpu.VMEM((C,), jnp.int32),
            pltpu.VMEM((C,), jnp.int32),
            pltpu.VMEM((C,), jnp.float32),
            pltpu.VMEM((C,), jnp.float32),
            pltpu.VMEM((C,), jnp.int32),
            pltpu.VMEM((C,), jnp.int32),
            pltpu.VMEM((C,), jnp.float32),
            pltpu.VMEM((C,), jnp.float32),
            pltpu.SemaphoreType.DMA,
            pltpu.SemaphoreType.DMA,
        ],
    )
    def body(hT_hbm, rfwT_hbm, src_hbm, dst_hbm, w_hbm, out_hbm,
             hcol_v, acc_v, src_a, dst_a, w_a, r_a, src_b, dst_b, w_b, r_b,
             sem_a, sem_b):
        core = lax.axis_index("c")
        sub = lax.axis_index("s")
        f = sub * NC + core

        for q in range(HLEN // HSTEP):
            pltpu.sync_copy(hT_hbm.at[f, 0, pl.ds(q * HSTEP, HSTEP)],
                            hcol_v.at[pl.ds(q * HSTEP, HSTEP)])

        def zrow(i, carry):
            acc_v[pl.ds(i * L, L)] = jnp.zeros((L,), jnp.float32)
            return carry

        lax.fori_loop(0, NPAD // L, zrow, 0)

        bufs = {0: (src_a, dst_a, w_a, r_a, sem_a),
                1: (src_b, dst_b, w_b, r_b, sem_b)}

        def fire(c, which):
            sv, dv, wv, rv, sm = bufs[which]
            base = pl.multiple_of(c * C, 8)
            pltpu.async_copy(src_hbm.at[pl.ds(base, C)], sv, sm)
            pltpu.async_copy(dst_hbm.at[pl.ds(base, C)], dv, sm)
            pltpu.async_copy(w_hbm.at[pl.ds(base, C)], wv, sm)
            pltpu.async_copy(rfwT_hbm.at[f, 0, pl.ds(base, C)], rv, sm)

        def drain_compute(which):
            sv, dv, wv, rv, sm = bufs[which]
            pltpu.make_async_copy(src_hbm.at[pl.ds(0, C)], sv, sm).wait()
            pltpu.make_async_copy(dst_hbm.at[pl.ds(0, C)], dv, sm).wait()
            pltpu.make_async_copy(w_hbm.at[pl.ds(0, C)], wv, sm).wait()
            pltpu.make_async_copy(rfwT_hbm.at[f, 0, pl.ds(0, C)], rv, sm).wait()

            @plsc.parallel_loop(0, G, unroll=16)
            def grp(g):
                sl = pl.ds(g * L, L)
                hv = plsc.load_gather(hcol_v, [sv[sl]])
                m = hv * wv[sl] + rv[sl]
                plsc.addupdate_scatter(acc_v, [dv[sl]], m)

        fire(0, 0)

        @pl.loop(0, NPAIR)
        def pair(i):
            fire(2 * i + 1, 1)
            drain_compute(0)

            @pl.when(i + 1 < NPAIR)
            def _():
                fire(2 * i + 2, 0)

            drain_compute(1)

        fire(NCHUNKS - 1, 0)
        drain_compute(0)

        for q in range(NPAD // OSTEP):
            pltpu.sync_copy(acc_v.at[pl.ds(q * OSTEP, OSTEP)],
                            out_hbm.at[f, 0, pl.ds(q * OSTEP, OSTEP)])

    return body(hT.reshape(D, 1, HLEN), rfwT.reshape(D, 1, E), src, dst, w)


def _hT_tc(x, node_W):

    def body(w_ref, x_ref, o_ref):
        o_ref[...] = lax.dot_general(
            w_ref[...], x_ref[...], (((1,), (1,)), ((), ())),
            preferred_element_type=jnp.float32)

    return pl.pallas_call(
        body,
        out_shape=jax.ShapeDtypeStruct((D, HLEN), jnp.float32),
    )(node_W, x)


def _rfwT_tc(review_feat, review_W, edge_w):
    BLK = 6400

    def body(w_ref, rf_ref, ew_ref, o_ref):
        prod = lax.dot_general(
            w_ref[...], rf_ref[...], (((1,), (1,)), ((), ())),
            preferred_element_type=jnp.float32)
        o_ref[...] = prod * ew_ref[...]

    return pl.pallas_call(
        body,
        grid=(E // BLK,),
        in_specs=[
            pl.BlockSpec((D, D_REVIEW), lambda i: (0, 0)),
            pl.BlockSpec((BLK, D_REVIEW), lambda i: (i, 0)),
            pl.BlockSpec((1, BLK), lambda i: (0, i)),
        ],
        out_specs=pl.BlockSpec((D, BLK), lambda i: (0, i)),
        out_shape=jax.ShapeDtypeStruct((D, E), jnp.float32),
    )(review_W, review_feat, edge_w.reshape(1, E))


def _tr_tc(a):

    def body(a_ref, o_ref):
        o_ref[...] = a_ref[...].T

    return pl.pallas_call(
        body,
        out_shape=jax.ShapeDtypeStruct((N, D), jnp.float32),
    )(a)


def kernel(x, edge_index, review_feat, edge_w, node_W, review_W):
    xp = jnp.zeros((HLEN, D), jnp.float32).at[:N, :].set(x)
    hT = _hT_tc(xp, node_W)
    rfwT = _rfwT_tc(review_feat, review_W, edge_w)
    src = edge_index[0].astype(jnp.int32)
    dst = edge_index[1].astype(jnp.int32)
    w = edge_w[:, 0]
    outT = _sc_scatter(hT, rfwT, src, dst, w)
    return _tr_tc(outT.reshape(D, NPAD)[:, :N])

# --- scband reference (transcript-rebuilt; emitter-appended) ---
"""Pipeline reference for scband-gcmcgraph-conv-58497454571671 (READ-ONLY COPY).

The authoritative reference and input builder live on the scoring server;
editing this copy changes nothing except your own understanding.
"""

import jax, jax.numpy as jnp
import numpy as np

N = 50000          # n_nodes
E = 800000         # n_edges
D = 32             # 64 // num_factor
D_REVIEW = 64      # out_feats * num_factor


def setup_inputs(seed: int = 0) -> dict:
    key = jax.random.key(seed)
    k1, k2, k3, k4, k5, k6 = jax.random.split(key, 6)
    x = jax.random.normal(k1, (N, D), dtype=jnp.float32)
    edge_index = jax.random.randint(k2, (2, E), 0, N)
    review_feat = jax.random.normal(k3, (E, D_REVIEW), dtype=jnp.float32)
    edge_w = jax.random.uniform(k4, (E, 1), dtype=jnp.float32)
    # xavier_uniform-style init for Linear weights (out_features, in_features)
    bound_n = float(np.sqrt(6.0 / (D + D)))
    node_W = jax.random.uniform(k5, (D, D), dtype=jnp.float32, minval=-bound_n, maxval=bound_n)
    bound_r = float(np.sqrt(6.0 / (D + D_REVIEW)))
    review_W = jax.random.uniform(k6, (D, D_REVIEW), dtype=jnp.float32, minval=-bound_r, maxval=bound_r)
    return {"x": x, "edge_index": edge_index, "review_feat": review_feat, "edge_w": edge_w, "node_W": node_W, "review_W": review_W}


def reference(x, edge_index, review_feat, edge_w, node_W, review_W):
    # graph.srcdata['h'] = node_w(feat[0][s])
    h = x @ node_W.T
    # graph.edata['rf'] = review_w(review_feat)
    rf = review_feat @ review_W.T
    src = edge_index[0]
    dst = edge_index[1]
    # message: (edges.src['h'] + edges.data['rf']) * dropout(edges.data['w'])
    # dropout_rate = 0.0 -> identity in eval/train
    m = (jnp.take(h, src, axis=0) + rf) * edge_w
    # fn.sum(msg='m', out='h'): scatter-add over destination nodes
    rst = jax.ops.segment_sum(m, dst, num_segments=N)
    return rst

if __name__ == "__main__":
    import jax
    _d = setup_inputs()
    print(jax.jit(kernel)(*tuple(_d.values())))

</pallas_src>

<mosaic_0001>
#map = affine_map<(d0, d1) -> (0, 0, 0)>
#map1 = affine_map<(d0, d1) -> (0)>
module attributes {stable_mosaic.version = 14 : i64} {
  func.func @body(%arg0: i32, %arg1: i32, %arg2: memref<32x1x50048xf32, #tpu.memory_space<hbm>>, %arg3: memref<32x1x800000xf32, #tpu.memory_space<hbm>>, %arg4: memref<800000xi32, #tpu.memory_space<hbm>>, %arg5: memref<800000xi32, #tpu.memory_space<hbm>>, %arg6: memref<800000xf32, #tpu.memory_space<hbm>>, %arg7: memref<32x1x50176xf32, #tpu.memory_space<hbm>>, %arg8: memref<50048xf32, #tpu.memory_space<vmem>>, %arg9: memref<50176xf32, #tpu.memory_space<vmem>>, %arg10: memref<1280xi32, #tpu.memory_space<vmem>>, %arg11: memref<1280xi32, #tpu.memory_space<vmem>>, %arg12: memref<1280xf32, #tpu.memory_space<vmem>>, %arg13: memref<1280xf32, #tpu.memory_space<vmem>>, %arg14: memref<1280xi32, #tpu.memory_space<vmem>>, %arg15: memref<1280xi32, #tpu.memory_space<vmem>>, %arg16: memref<1280xf32, #tpu.memory_space<vmem>>, %arg17: memref<1280xf32, #tpu.memory_space<vmem>>, %arg18: memref<!tpu.dma_semaphore, #tpu.memory_space<semaphore_mem>>, %arg19: memref<!tpu.dma_semaphore, #tpu.memory_space<semaphore_mem>>) attributes {dimension_semantics = [#tpu.dimension_semantics<core_parallel>, #tpu.dimension_semantics<subcore_parallel>], iteration_bounds = array<i64: 2, 16>, scalar_prefetch = 0 : i64, scratch_operands = 12 : i64, tpu.core_type = #tpu.core_type<sc_vector_subcore>, window_params = [{transform_indices = #map}, {transform_indices = #map}, {transform_indices = #map1}, {transform_indices = #map1}, {transform_indices = #map1}, {transform_indices = #map}]} {
    %mul3A = arith.constant 2 : i32
    %mul3A_0 = arith.muli %arg1, %mul3A : i32
    %add3A = arith.addi %mul3A_0, %arg0 : i32
    %run_scoped3A = arith.constant 0 : i32
    "tpu.region"() ({
      %run_scoped3A_79 = tpu.sem_alloc : memref<!tpu.dma_semaphore, #tpu.memory_space<semaphore_mem>>
      %dma_start3A_80 = arith.constant 0 : i32
      %dma_start3A_81 = tpu.memref_slice %arg8[%dma_start3A_80] : memref<50048xf32, #tpu.memory_space<vmem>> -> memref<2944xf32, #tpu.memory_space<vmem>>
      %dma_start3A_82 = arith.constant 0 : i32
      %dma_start3A_83 = tpu.memref_slice %arg2[%add3A, %run_scoped3A, %dma_start3A_82] : memref<32x1x50048xf32, #tpu.memory_space<hbm>> -> memref<1x1x2944xf32, #tpu.memory_space<hbm>>
      %dma_start3A_84 = tpu.memref_squeeze %dma_start3A_83 : memref<1x1x2944xf32, #tpu.memory_space<hbm>> -> memref<2944xf32, #tpu.memory_space<hbm>>
      %dma_start3A_85 = arith.constant 0 : i32
      %dma_start3A_86 = tpu.memref_slice %arg8[%dma_start3A_85] : memref<50048xf32, #tpu.memory_space<vmem>> -> memref<2944xf32, #tpu.memory_space<vmem>>
      %dma_start3A_87 = arith.constant 0 : i32
      %dma_start3A_88 = tpu.memref_slice %arg2[%add3A, %run_scoped3A, %dma_start3A_87] : memref<32x1x50048xf32, #tpu.memory_space<hbm>> -> memref<1x1x2944xf32, #tpu.memory_space<hbm>>
      %dma_start3A_89 = tpu.memref_squeeze %dma_start3A_88 : memref<1x1x2944xf32, #tpu.memory_space<hbm>> -> memref<2944xf32, #tpu.memory_space<hbm>>
      tpu.enqueue_dma source(%dma_start3A_89 : memref<2944xf32, #tpu.memory_space<hbm>>) target(%dma_start3A_86 : memref<2944xf32, #tpu.memory_space<vmem>>) target_semaphore(%run_scoped3A_79 : memref<!tpu.dma_semaphore, #tpu.memory_space<semaphore_mem>>)
      %dma_wait3A_90 = arith.constant 0 : i32
      %dma_wait3A_91 = tpu.memref_slice %arg8[%dma_wait3A_90] : memref<50048xf32, #tpu.memory_space<vmem>> -> memref<2944xf32, #tpu.memory_space<vmem>>
      %dma_wait3A_92 = arith.constant 0 : i32
      %dma_wait3A_93 = tpu.memref_slice %arg2[%add3A, %run_scoped3A, %dma_wait3A_92] : memref<32x1x50048xf32, #tpu.memory_space<hbm>> -> memref<1x1x2944xf32, #tpu.memory_space<hbm>>
      %dma_wait3A_94 = tpu.memref_squeeze %dma_wait3A_93 : memref<1x1x2944xf32, #tpu.memory_space<hbm>> -> memref<2944xf32, #tpu.memory_space<hbm>>
      %dma_wait3A_95 = arith.constant 0 : i32
      %dma_wait3A_96 = tpu.memref_slice %arg8[%dma_wait3A_95] : memref<50048xf32, #tpu.memory_space<vmem>> -> memref<2944xf32, #tpu.memory_space<vmem>>
      %dma_wait3A_97 = arith.constant 0 : i32
      %dma_wait3A_98 = tpu.memref_slice %arg2[%add3A, %run_scoped3A, %dma_wait3A_97] : memref<32x1x50048xf32, #tpu.memory_space<hbm>> -> memref<1x1x2944xf32, #tpu.memory_space<hbm>>
      %dma_wait3A_99 = tpu.memref_squeeze %dma_wait3A_98 : memref<1x1x2944xf32, #tpu.memory_space<hbm>> -> memref<2944xf32, #tpu.memory_space<hbm>>
      tpu.wait_dma2 semaphore(%run_scoped3A_79 : memref<!tpu.dma_semaphore, #tpu.memory_space<semaphore_mem>>) src(%dma_wait3A_99 : memref<2944xf32, #tpu.memory_space<hbm>>) dst(%dma_wait3A_96 : memref<2944xf32, #tpu.memory_space<vmem>>)
      tpu.yield
    }) : () -> ()
    %run_scoped3A_1 = arith.constant 0 : i32
    "tpu.region"() ({
      %run_scoped3A_79 = tpu.sem_alloc : memref<!tpu.dma_semaphore, #tpu.memory_space<semaphore_mem>>
      %dma_start3A_80 = arith.constant 2944 : i32
      %dma_start3A_81 = tpu.memref_slice %arg8[%dma_start3A_80] : memref<50048xf32, #tpu.memory_space<vmem>> -> memref<2944xf32, #tpu.memory_space<vmem>>
      %dma_start3A_82 = arith.constant 2944 : i32
      %dma_start3A_83 = tpu.memref_slice %arg2[%add3A, %run_scoped3A_1, %dma_start3A_82] : memref<32x1x50048xf32, #tpu.memory_space<hbm>> -> memref<1x1x2944xf32, #tpu.memory_space<hbm>>
      %dma_start3A_84 = tpu.memref_squeeze %dma_start3A_83 : memref<1x1x2944xf32, #tpu.memory_space<hbm>> -> memref<2944xf32, #tpu.memory_space<hbm>>
      %dma_start3A_85 = arith.constant 2944 : i32
      %dma_start3A_86 = tpu.memref_slice %arg8[%dma_start3A_85] : memref<50048xf32, #tpu.memory_space<vmem>> -> memref<2944xf32, #tpu.memory_space<vmem>>
      %dma_start3A_87 = arith.constant 2944 : i32
      %dma_start3A_88 = tpu.memref_slice %arg2[%add3A, %run_scoped3A_1, %dma_start3A_87] : memref<32x1x50048xf32, #tpu.memory_space<hbm>> -> memref<1x1x2944xf32, #tpu.memory_space<hbm>>
      %dma_start3A_89 = tpu.memref_squeeze %dma_start3A_88 : memref<1x1x2944xf32, #tpu.memory_space<hbm>> -> memref<2944xf32, #tpu.memory_space<hbm>>
      tpu.enqueue_dma source(%dma_start3A_89 : memref<2944xf32, #tpu.memory_space<hbm>>) target(%dma_start3A_86 : memref<2944xf32, #tpu.memory_space<vmem>>) target_semaphore(%run_scoped3A_79 : memref<!tpu.dma_semaphore, #tpu.memory_space<semaphore_mem>>)
      %dma_wait3A_90 = arith.constant 2944 : i32
      %dma_wait3A_91 = tpu.memref_slice %arg8[%dma_wait3A_90] : memref<50048xf32, #tpu.memory_space<vmem>> -> memref<2944xf32, #tpu.memory_space<vmem>>
      %dma_wait3A_92 = arith.constant 2944 : i32
      %dma_wait3A_93 = tpu.memref_slice %arg2[%add3A, %run_scoped3A_1, %dma_wait3A_92] : memref<32x1x50048xf32, #tpu.memory_space<hbm>> -> memref<1x1x2944xf32, #tpu.memory_space<hbm>>
      %dma_wait3A_94 = tpu.memref_squeeze %dma_wait3A_93 : memref<1x1x2944xf32, #tpu.memory_space<hbm>> -> memref<2944xf32, #tpu.memory_space<hbm>>
      %dma_wait3A_95 = arith.constant 2944 : i32
      %dma_wait3A_96 = tpu.memref_slice %arg8[%dma_wait3A_95] : memref<50048xf32, #tpu.memory_space<vmem>> -> memref<2944xf32, #tpu.memory_space<vmem>>
      %dma_wait3A_97 = arith.constant 2944 : i32
      %dma_wait3A_98 = tpu.memref_slice %arg2[%add3A, %run_scoped3A_1, %dma_wait3A_97] : memref<32x1x50048xf32, #tpu.memory_space<hbm>> -> memref<1x1x2944xf32, #tpu.memory_space<hbm>>
      %dma_wait3A_99 = tpu.memref_squeeze %dma_wait3A_98 : memref<1x1x2944xf32, #tpu.memory_space<hbm>> -> memref<2944xf32, #tpu.memory_space<hbm>>
      tpu.wait_dma2 semaphore(%run_scoped3A_79 : memref<!tpu.dma_semaphore, #tpu.memory_space<semaphore_mem>>) src(%dma_wait3A_99 : memref<2944xf32, #tpu.memory_space<hbm>>) dst(%dma_wait3A_96 : memref<2944xf32, #tpu.memory_space<vmem>>)
      tpu.yield
    }) : () -> ()
    %run_scoped3A_2 = arith.constant 0 : i32
    "tpu.region"() ({
      %run_scoped3A_79 = tpu.sem_alloc : memref<!tpu.dma_semaphore, #tpu.memory_space<semaphore_mem>>
      %dma_start3A_80 = arith.constant 5888 : i32
      %dma_start3A_81 = tpu.memref_slice %arg8[%dma_start3A_80] : memref<50048xf32, #tpu.memory_space<vmem>> -> memref<2944xf32, #tpu.memory_space<vmem>>
      %dma_start3A_82 = arith.constant 5888 : i32
      %dma_start3A_83 = tpu.memref_slice %arg2[%add3A, %run_scoped3A_2, %dma_start3A_82] : memref<32x1x50048xf32, #tpu.memory_space<hbm>> -> memref<1x1x2944xf32, #tpu.memory_space<hbm>>
      %dma_start3A_84 = tpu.memref_squeeze %dma_start3A_83 : memref<1x1x2944xf32, #tpu.memory_space<hbm>> -> memref<2944xf32, #tpu.memory_space<hbm>>
      %dma_start3A_85 = arith.constant 5888 : i32
      %dma_start3A_86 = tpu.memref_slice %arg8[%dma_start3A_85] : memref<50048xf32, #tpu.memory_space<vmem>> -> memref<2944xf32, #tpu.memory_space<vmem>>
      %dma_start3A_87 = arith.constant 5888 : i32
      %dma_start3A_88 = tpu.memref_slice %arg2[%add3A, %run_scoped3A_2, %dma_start3A_87] : memref<32x1x50048xf32, #tpu.memory_space<hbm>> -> memref<1x1x2944xf32, #tpu.memory_space<hbm>>
      %dma_start3A_89 = tpu.memref_squeeze %dma_start3A_88 : memref<1x1x2944xf32, #tpu.memory_space<hbm>> -> memref<2944xf32, #tpu.memory_space<hbm>>
      tpu.enqueue_dma source(%dma_start3A_89 : memref<2944xf32, #tpu.memory_space<hbm>>) target(%dma_start3A_86 : memref<2944xf32, #tpu.memory_space<vmem>>) target_semaphore(%run_scoped3A_79 : memref<!tpu.dma_semaphore, #tpu.memory_space<semaphore_mem>>)
      %dma_wait3A_90 = arith.constant 5888 : i32
      %dma_wait3A_91 = tpu.memref_slice %arg8[%dma_wait3A_90] : memref<50048xf32, #tpu.memory_space<vmem>> -> memref<2944xf32, #tpu.memory_space<vmem>>
      %dma_wait3A_92 = arith.constant 5888 : i32
      %dma_wait3A_93 = tpu.memref_slice %arg2[%add3A, %run_scoped3A_2, %dma_wait3A_92] : memref<32x1x50048xf32, #tpu.memory_space<hbm>> -> memref<1x1x2944xf32, #tpu.memory_space<hbm>>
      %dma_wait3A_94 = tpu.memref_squeeze %dma_wait3A_93 : memref<1x1x2944xf32, #tpu.memory_space<hbm>> -> memref<2944xf32, #tpu.memory_space<hbm>>
      %dma_wait3A_95 = arith.constant 5888 : i32
      %dma_wait3A_96 = tpu.memref_slice %arg8[%dma_wait3A_95] : memref<50048xf32, #tpu.memory_space<vmem>> -> memref<2944xf32, #tpu.memory_space<vmem>>
      %dma_wait3A_97 = arith.constant 5888 : i32
      %dma_wait3A_98 = tpu.memref_slice %arg2[%add3A, %run_scoped3A_2, %dma_wait3A_97] : memref<32x1x50048xf32, #tpu.memory_space<hbm>> -> memref<1x1x2944xf32, #tpu.memory_space<hbm>>
      %dma_wait3A_99 = tpu.memref_squeeze %dma_wait3A_98 : memref<1x1x2944xf32, #tpu.memory_space<hbm>> -> memref<2944xf32, #tpu.memory_space<hbm>>
      tpu.wait_dma2 semaphore(%run_scoped3A_79 : memref<!tpu.dma_semaphore, #tpu.memory_space<semaphore_mem>>) src(%dma_wait3A_99 : memref<2944xf32, #tpu.memory_space<hbm>>) dst(%dma_wait3A_96 : memref<2944xf32, #tpu.memory_space<vmem>>)
      tpu.yield
    }) : () -> ()
    %run_scoped3A_3 = arith.constant 0 : i32
    "tpu.region"() ({
      %run_scoped3A_79 = tpu.sem_alloc : memref<!tpu.dma_semaphore, #tpu.memory_space<semaphore_mem>>
      %dma_start3A_80 = arith.constant 8832 : i32
      %dma_start3A_81 = tpu.memref_slice %arg8[%dma_start3A_80] : memref<50048xf32, #tpu.memory_space<vmem>> -> memref<2944xf32, #tpu.memory_space<vmem>>
      %dma_start3A_82 = arith.constant 8832 : i32
      %dma_start3A_83 = tpu.memref_slice %arg2[%add3A, %run_scoped3A_3, %dma_start3A_82] : memref<32x1x50048xf32, #tpu.memory_space<hbm>> -> memref<1x1x2944xf32, #tpu.memory_space<hbm>>
      %dma_start3A_84 = tpu.memref_squeeze %dma_start3A_83 : memref<1x1x2944xf32, #tpu.memory_space<hbm>> -> memref<2944xf32, #tpu.memory_space<hbm>>
      %dma_start3A_85 = arith.constant 8832 : i32
      %dma_start3A_86 = tpu.memref_slice %arg8[%dma_start3A_85] : memref<50048xf32, #tpu.memory_space<vmem>> -> memref<2944xf32, #tpu.memory_space<vmem>>
      %dma_start3A_87 = arith.constant 8832 : i32
      %dma_start3A_88 = tpu.memref_slice %arg2[%add3A, %run_scoped3A_3, %dma_start3A_87] : memref<32x1x50048xf32, #tpu.memory_space<hbm>> -> memref<1x1x2944xf32, #tpu.memory_space<hbm>>
      %dma_start3A_89 = tpu.memref_squeeze %dma_start3A_88 : memref<1x1x2944xf32, #tpu.memory_space<hbm>> -> memref<2944xf32, #tpu.memory_space<hbm>>
      tpu.enqueue_dma source(%dma_start3A_89 : memref<2944xf32, #tpu.memory_space<hbm>>) target(%dma_start3A_86 : memref<2944xf32, #tpu.memory_space<vmem>>) target_semaphore(%run_scoped3A_79 : memref<!tpu.dma_semaphore, #tpu.memory_space<semaphore_mem>>)
      %dma_wait3A_90 = arith.constant 8832 : i32
      %dma_wait3A_91 = tpu.memref_slice %arg8[%dma_wait3A_90] : memref<50048xf32, #tpu.memory_space<vmem>> -> memref<2944xf32, #tpu.memory_space<vmem>>
      %dma_wait3A_92 = arith.constant 8832 : i32
      %dma_wait3A_93 = tpu.memref_slice %arg2[%add3A, %run_scoped3A_3, %dma_wait3A_92] : memref<32x1x50048xf32, #tpu.memory_space<hbm>> -> memref<1x1x2944xf32, #tpu.memory_space<hbm>>
      %dma_wait3A_94 = tpu.memref_squeeze %dma_wait3A_93 : memref<1x1x2944xf32, #tpu.memory_space<hbm>> -> memref<2944xf32, #tpu.memory_space<hbm>>
      %dma_wait3A_95 = arith.constant 8832 : i32
      %dma_wait3A_96 = tpu.memref_slice %arg8[%dma_wait3A_95] : memref<50048xf32, #tpu.memory_space<vmem>> -> memref<2944xf32, #tpu.memory_space<vmem>>
      %dma_wait3A_97 = arith.constant 8832 : i32
      %dma_wait3A_98 = tpu.memref_slice %arg2[%add3A, %run_scoped3A_3, %dma_wait3A_97] : memref<32x1x50048xf32, #tpu.memory_space<hbm>> -> memref<1x1x2944xf32, #tpu.memory_space<hbm>>
      %dma_wait3A_99 = tpu.memref_squeeze %dma_wait3A_98 : memref<1x1x2944xf32, #tpu.memory_space<hbm>> -> memref<2944xf32, #tpu.memory_space<hbm>>
      tpu.wait_dma2 semaphore(%run_scoped3A_79 : memref<!tpu.dma_semaphore, #tpu.memory_space<semaphore_mem>>) src(%dma_wait3A_99 : memref<2944xf32, #tpu.memory_space<hbm>>) dst(%dma_wait3A_96 : memref<2944xf32, #tpu.memory_space<vmem>>)
      tpu.yield
    }) : () -> ()
    %run_scoped3A_4 = arith.constant 0 : i32
    "tpu.region"() ({
      %run_scoped3A_79 = tpu.sem_alloc : memref<!tpu.dma_semaphore, #tpu.memory_space<semaphore_mem>>
      %dma_start3A_80 = arith.constant 11776 : i32
      %dma_start3A_81 = tpu.memref_slice %arg8[%dma_start3A_80] : memref<50048xf32, #tpu.memory_space<vmem>> -> memref<2944xf32, #tpu.memory_space<vmem>>
      %dma_start3A_82 = arith.constant 11776 : i32
      %dma_start3A_83 = tpu.memref_slice %arg2[%add3A, %run_scoped3A_4, %dma_start3A_82] : memref<32x1x50048xf32, #tpu.memory_space<hbm>> -> memref<1x1x2944xf32, #tpu.memory_space<hbm>>
      %dma_start3A_84 = tpu.memref_squeeze %dma_start3A_83 : memref<1x1x2944xf32, #tpu.memory_space<hbm>> -> memref<2944xf32, #tpu.memory_space<hbm>>
      %dma_start3A_85 = arith.constant 11776 : i32
      %dma_start3A_86 = tpu.memref_slice %arg8[%dma_start3A_85] : memref<50048xf32, #tpu.memory_space<vmem>> -> memref<2944xf32, #tpu.memory_space<vmem>>
      %dma_start3A_87 = arith.constant 11776 : i32
      %dma_start3A_88 = tpu.memref_slice %arg2[%add3A, %run_scoped3A_4, %dma_start3A_87] : memref<32x1x50048xf32, #tpu.memory_space<hbm>> -> memref<1x1x2944xf32, #tpu.memory_space<hbm>>
      %dma_start3A_89 = tpu.memref_squeeze %dma_start3A_88 : memref<1x1x2944xf32, #tpu.memory_space<hbm>> -> memref<2944xf32, #tpu.memory_space<hbm>>
      tpu.enqueue_dma source(%dma_start3A_89 : memref<2944xf32, #tpu.memory_space<hbm>>) target(%dma_start3A_86 : memref<2944xf32, #tpu.memory_space<vmem>>) target_semaphore(%run_scoped3A_79 : memref<!tpu.dma_semaphore, #tpu.memory_space<semaphore_mem>>)
      %dma_wait3A_90 = arith.constant 11776 : i32
      %dma_wait3A_91 = tpu.memref_slice %arg8[%dma_wait3A_90] : memref<50048xf32, #tpu.memory_space<vmem>> -> memref<2944xf32, #tpu.memory_space<vmem>>
      %dma_wait3A_92 = arith.constant 11776 : i32
      %dma_wait3A_93 = tpu.memref_slice %arg2[%add3A, %run_scoped3A_4, %dma_wait3A_92] : memref<32x1x50048xf32, #tpu.memory_space<hbm>> -> memref<1x1x2944xf32, #tpu.memory_space<hbm>>
      %dma_wait3A_94 = tpu.memref_squeeze %dma_wait3A_93 : memref<1x1x2944xf32, #tpu.memory_space<hbm>> -> memref<2944xf32, #tpu.memory_space<hbm>>
      %dma_wait3A_95 = arith.constant 11776 : i32
      %dma_wait3A_96 = tpu.memref_slice %arg8[%dma_wait3A_95] : memref<50048xf32, #tpu.memory_space<vmem>> -> memref<2944xf32, #tpu.memory_space<vmem>>
      %dma_wait3A_97 = arith.constant 11776 : i32
      %dma_wait3A_98 = tpu.memref_slice %arg2[%add3A, %run_scoped3A_4, %dma_wait3A_97] : memref<32x1x50048xf32, #tpu.memory_space<hbm>> -> memref<1x1x2944xf32, #tpu.memory_space<hbm>>
      %dma_wait3A_99 = tpu.memref_squeeze %dma_wait3A_98 : memref<1x1x2944xf32, #tpu.memory_space<hbm>> -> memref<2944xf32, #tpu.memory_space<hbm>>
      tpu.wait_dma2 semaphore(%run_scoped3A_79 : memref<!tpu.dma_semaphore, #tpu.memory_space<semaphore_mem>>) src(%dma_wait3A_99 : memref<2944xf32, #tpu.memory_space<hbm>>) dst(%dma_wait3A_96 : memref<2944xf32, #tpu.memory_space<vmem>>)
      tpu.yield
    }) : () -> ()
    %run_scoped3A_5 = arith.constant 0 : i32
    "tpu.region"() ({
      %run_scoped3A_79 = tpu.sem_alloc : memref<!tpu.dma_semaphore, #tpu.memory_space<semaphore_mem>>
      %dma_start3A_80 = arith.constant 14720 : i32
      %dma_start3A_81 = tpu.memref_slice %arg8[%dma_start3A_80] : memref<50048xf32, #tpu.memory_space<vmem>> -> memref<2944xf32, #tpu.memory_space<vmem>>
      %dma_start3A_82 = arith.constant 14720 : i32
      %dma_start3A_83 = tpu.memref_slice %arg2[%add3A, %run_scoped3A_5, %dma_start3A_82] : memref<32x1x50048xf32, #tpu.memory_space<hbm>> -> memref<1x1x2944xf32, #tpu.memory_space<hbm>>
      %dma_start3A_84 = tpu.memref_squeeze %dma_start3A_83 : memref<1x1x2944xf32, #tpu.memory_space<hbm>> -> memref<2944xf32, #tpu.memory_space<hbm>>
      %dma_start3A_85 = arith.constant 14720 : i32
      %dma_start3A_86 = tpu.memref_slice %arg8[%dma_start3A_85] : memref<50048xf32, #tpu.memory_space<vmem>> -> memref<2944xf32, #tpu.memory_space<vmem>>
      %dma_start3A_87 = arith.constant 14720 : i32
      %dma_start3A_88 = tpu.memref_slice %arg2[%add3A, %run_scoped3A_5, %dma_start3A_87] : memref<32x1x50048xf32, #tpu.memory_space<hbm>> -> memref<1x1x2944xf32, #tpu.memory_space<hbm>>
      %dma_start3A_89 = tpu.memref_squeeze %dma_start3A_88 : memref<1x1x2944xf32, #tpu.memory_space<hbm>> -> memref<2944xf32, #tpu.memory_space<hbm>>
      tpu.enqueue_dma source(%dma_start3A_89 : memref<2944xf32, #tpu.memory_space<hbm>>) target(%dma_start3A_86 : memref<2944xf32, #tpu.memory_space<vmem>>) target_semaphore(%run_scoped3A_79 : memref<!tpu.dma_semaphore, #tpu.memory_space<semaphore_mem>>)
      %dma_wait3A_90 = arith.constant 14720 : i32
      %dma_wait3A_91 = tpu.memref_slice %arg8[%dma_wait3A_90] : memref<50048xf32, #tpu.memory_space<vmem>> -> memref<2944xf32, #tpu.memory_space<vmem>>
      %dma_wait3A_92 = arith.constant 14720 : i32
      %dma_wait3A_93 = tpu.memref_slice %arg2[%add3A, %run_scoped3A_5, %dma_wait3A_92] : memref<32x1x50048xf32, #tpu.memory_space<hbm>> -> memref<1x1x2944xf32, #tpu.memory_space<hbm>>
      %dma_wait3A_94 = tpu.memref_squeeze %dma_wait3A_93 : memref<1x1x2944xf32, #tpu.memory_space<hbm>> -> memref<2944xf32, #tpu.memory_space<hbm>>
      %dma_wait3A_95 = arith.constant 14720 : i32
      %dma_wait3A_96 = tpu.memref_slice %arg8[%dma_wait3A_95] : memref<50048xf32, #tpu.memory_space<vmem>> -> memref<2944xf32, #tpu.memory_space<vmem>>
      %dma_wait3A_97 = arith.constant 14720 : i32
      %dma_wait3A_98 = tpu.memref_slice %arg2[%add3A, %run_scoped3A_5, %dma_wait3A_97] : memref<32x1x50048xf32, #tpu.memory_space<hbm>> -> memref<1x1x2944xf32, #tpu.memory_space<hbm>>
      %dma_wait3A_99 = tpu.memref_squeeze %dma_wait3A_98 : memref<1x1x2944xf32, #tpu.memory_space<hbm>> -> memref<2944xf32, #tpu.memory_space<hbm>>
      tpu.wait_dma2 semaphore(%run_scoped3A_79 : memref<!tpu.dma_semaphore, #tpu.memory_space<semaphore_mem>>) src(%dma_wait3A_99 : memref<2944xf32, #tpu.memory_space<hbm>>) dst(%dma_wait3A_96 : memref<2944xf32, #tpu.memory_space<vmem>>)
      tpu.yield
    }) : () -> ()
    %run_scoped3A_6 = arith.constant 0 : i32
    "tpu.region"() ({
      %run_scoped3A_79 = tpu.sem_alloc : memref<!tpu.dma_semaphore, #tpu.memory_space<semaphore_mem>>
      %dma_start3A_80 = arith.constant 17664 : i32
      %dma_start3A_81 = tpu.memref_slice %arg8[%dma_start3A_80] : memref<50048xf32, #tpu.memory_space<vmem>> -> memref<2944xf32, #tpu.memory_space<vmem>>
      %dma_start3A_82 = arith.constant 17664 : i32
      %dma_start3A_83 = tpu.memref_slice %arg2[%add3A, %run_scoped3A_6, %dma_start3A_82] : memref<32x1x50048xf32, #tpu.memory_space<hbm>> -> memref<1x1x2944xf32, #tpu.memory_space<hbm>>
      %dma_start3A_84 = tpu.memref_squeeze %dma_start3A_83 : memref<1x1x2944xf32, #tpu.memory_space<hbm>> -> memref<2944xf32, #tpu.memory_space<hbm>>
      %dma_start3A_85 = arith.constant 17664 : i32
      %dma_start3A_86 = tpu.memref_slice %arg8[%dma_start3A_85] : memref<50048xf32, #tpu.memory_space<vmem>> -> memref<2944xf32, #tpu.memory_space<vmem>>
      %dma_start3A_87 = arith.constant 17664 : i32
      %dma_start3A_88 = tpu.memref_slice %arg2[%add3A, %run_scoped3A_6, %dma_start3A_87] : memref<32x1x50048xf32, #tpu.memory_space<hbm>> -> memref<1x1x2944xf32, #tpu.memory_space<hbm>>
      %dma_start3A_89 = tpu.memref_squeeze %dma_start3A_88 : memref<1x1x2944xf32, #tpu.memory_space<hbm>> -> memref<2944xf32, #tpu.memory_space<hbm>>
      tpu.enqueue_dma source(%dma_start3A_89 : memref<2944xf32, #tpu.memory_space<hbm>>) target(%dma_start3A_86 : memref<2944xf32, #tpu.memory_space<vmem>>) target_semaphore(%run_scoped3A_79 : memref<!tpu.dma_semaphore, #tpu.memory_space<semaphore_mem>>)
      %dma_wait3A_90 = arith.constant 17664 : i32
      %dma_wait3A_91 = tpu.memref_slice %arg8[%dma_wait3A_90] : memref<50048xf32, #tpu.memory_space<vmem>> -> memref<2944xf32, #tpu.memory_space<vmem>>
      %dma_wait3A_92 = arith.constant 17664 : i32
      %dma_wait3A_93 = tpu.memref_slice %arg2[%add3A, %run_scoped3A_6, %dma_wait3A_92] : memref<32x1x50048xf32, #tpu.memory_space<hbm>> -> memref<1x1x2944xf32, #tpu.memory_space<hbm>>
      %dma_wait3A_94 = tpu.memref_squeeze %dma_wait3A_93 : memref<1x1x2944xf32, #tpu.memory_space<hbm>> -> memref<2944xf32, #tpu.memory_space<hbm>>
      %dma_wait3A_95 = arith.constant 17664 : i32
      %dma_wait3A_96 = tpu.memref_slice %arg8[%dma_wait3A_95] : memref<50048xf32, #tpu.memory_space<vmem>> -> memref<2944xf32, #tpu.memory_space<vmem>>
      %dma_wait3A_97 = arith.constant 17664 : i32
      %dma_wait3A_98 = tpu.memref_slice %arg2[%add3A, %run_scoped3A_6, %dma_wait3A_97] : memref<32x1x50048xf32, #tpu.memory_space<hbm>> -> memref<1x1x2944xf32, #tpu.memory_space<hbm>>
      %dma_wait3A_99 = tpu.memref_squeeze %dma_wait3A_98 : memref<1x1x2944xf32, #tpu.memory_space<hbm>> -> memref<2944xf32, #tpu.memory_space<hbm>>
      tpu.wait_dma2 semaphore(%run_scoped3A_79 : memref<!tpu.dma_semaphore, #tpu.memory_space<semaphore_mem>>) src(%dma_wait3A_99 : memref<2944xf32, #tpu.memory_space<hbm>>) dst(%dma_wait3A_96 : memref<2944xf32, #tpu.memory_space<vmem>>)
      tpu.yield
    }) : () -> ()
    %run_scoped3A_7 = arith.constant 0 : i32
    "tpu.region"() ({
      %run_scoped3A_79 = tpu.sem_alloc : memref<!tpu.dma_semaphore, #tpu.memory_space<semaphore_mem>>
      %dma_start3A_80 = arith.constant 20608 : i32
      %dma_start3A_81 = tpu.memref_slice %arg8[%dma_start3A_80] : memref<50048xf32, #tpu.memory_space<vmem>> -> memref<2944xf32, #tpu.memory_space<vmem>>
      %dma_start3A_82 = arith.constant 20608 : i32
      %dma_start3A_83 = tpu.memref_slice %arg2[%add3A, %run_scoped3A_7, %dma_start3A_82] : memref<32x1x50048xf32, #tpu.memory_space<hbm>> -> memref<1x1x2944xf32, #tpu.memory_space<hbm>>
      %dma_start3A_84 = tpu.memref_squeeze %dma_start3A_83 : memref<1x1x2944xf32, #tpu.memory_space<hbm>> -> memref<2944xf32, #tpu.memory_space<hbm>>
      %dma_start3A_85 = arith.constant 20608 : i32
      %dma_start3A_86 = tpu.memref_slice %arg8[%dma_start3A_85] : memref<50048xf32, #tpu.memory_space<vmem>> -> memref<2944xf32, #tpu.memory_space<vmem>>
      %dma_start3A_87 = arith.constant 20608 : i32
      %dma_start3A_88 = tpu.memref_slice %arg2[%add3A, %run_scoped3A_7, %dma_start3A_87] : memref<32x1x50048xf32, #tpu.memory_space<hbm>> -> memref<1x1x2944xf32, #tpu.memory_space<hbm>>
      %dma_start3A_89 = tpu.memref_squeeze %dma_start3A_88 : memref<1x1x2944xf32, #tpu.memory_space<hbm>> -> memref<2944xf32, #tpu.memory_space<hbm>>
      tpu.enqueue_dma source(%dma_start3A_89 : memref<2944xf32, #tpu.memory_space<hbm>>) target(%dma_start3A_86 : memref<2944xf32, #tpu.memory_space<vmem>>) target_semaphore(%run_scoped3A_79 : memref<!tpu.dma_semaphore, #tpu.memory_space<semaphore_mem>>)
      %dma_wait3A_90 = arith.constant 20608 : i32
      %dma_wait3A_91 = tpu.memref_slice %arg8[%dma_wait3A_90] : memref<50048xf32, #tpu.memory_space<vmem>> -> memref<2944xf32, #tpu.memory_space<vmem>>
      %dma_wait3A_92 = arith.constant 20608 : i32
      %dma_wait3A_93 = tpu.memref_slice %arg2[%add3A, %run_scoped3A_7, %dma_wait3A_92] : memref<32x1x50048xf32, #tpu.memory_space<hbm>> -> memref<1x1x2944xf32, #tpu.memory_space<hbm>>
      %dma_wait3A_94 = tpu.memref_squeeze %dma_wait3A_93 : memref<1x1x2944xf32, #tpu.memory_space<hbm>> -> memref<2944xf32, #tpu.memory_space<hbm>>
      %dma_wait3A_95 = arith.constant 20608 : i32
      %dma_wait3A_96 = tpu.memref_slice %arg8[%dma_wait3A_95] : memref<50048xf32, #tpu.memory_space<vmem>> -> memref<2944xf32, #tpu.memory_space<vmem>>
      %dma_wait3A_97 = arith.constant 20608 : i32
      %dma_wait3A_98 = tpu.memref_slice %arg2[%add3A, %run_scoped3A_7, %dma_wait3A_97] : memref<32x1x50048xf32, #tpu.memory_space<hbm>> -> memref<1x1x2944xf32, #tpu.memory_space<hbm>>
      %dma_wait3A_99 = tpu.memref_squeeze %dma_wait3A_98 : memref<1x1x2944xf32, #tpu.memory_space<hbm>> -> memref<2944xf32, #tpu.memory_space<hbm>>
      tpu.wait_dma2 semaphore(%run_scoped3A_79 : memref<!tpu.dma_semaphore, #tpu.memory_space<semaphore_mem>>) src(%dma_wait3A_99 : memref<2944xf32, #tpu.memory_space<hbm>>) dst(%dma_wait3A_96 : memref<2944xf32, #tpu.memory_space<vmem>>)
      tpu.yield
    }) : () -> ()
    %run_scoped3A_8 = arith.constant 0 : i32
    "tpu.region"() ({
      %run_scoped3A_79 = tpu.sem_alloc : memref<!tpu.dma_semaphore, #tpu.memory_space<semaphore_mem>>
      %dma_start3A_80 = arith.constant 23552 : i32
      %dma_start3A_81 = tpu.memref_slice %arg8[%dma_start3A_80] : memref<50048xf32, #tpu.memory_space<vmem>> -> memref<2944xf32, #tpu.memory_space<vmem>>
      %dma_start3A_82 = arith.constant 23552 : i32
      %dma_start3A_83 = tpu.memref_slice %arg2[%add3A, %run_scoped3A_8, %dma_start3A_82] : memref<32x1x50048xf32, #tpu.memory_space<hbm>> -> memref<1x1x2944xf32, #tpu.memory_space<hbm>>
      %dma_start3A_84 = tpu.memref_squeeze %dma_start3A_83 : memref<1x1x2944xf32, #tpu.memory_space<hbm>> -> memref<2944xf32, #tpu.memory_space<hbm>>
      %dma_start3A_85 = arith.constant 23552 : i32
      %dma_start3A_86 = tpu.memref_slice %arg8[%dma_start3A_85] : memref<50048xf32, #tpu.memory_space<vmem>> -> memref<2944xf32, #tpu.memory_space<vmem>>
      %dma_start3A_87 = arith.constant 23552 : i32
      %dma_start3A_88 = tpu.memref_slice %arg2[%add3A, %run_scoped3A_8, %dma_start3A_87] : memref<32x1x50048xf32, #tpu.memory_space<hbm>> -> memref<1x1x2944xf32, #tpu.memory_space<hbm>>
      %dma_start3A_89 = tpu.memref_squeeze %dma_start3A_88 : memref<1x1x2944xf32, #tpu.memory_space<hbm>> -> memref<2944xf32, #tpu.memory_space<hbm>>
      tpu.enqueue_dma source(%dma_start3A_89 : memref<2944xf32, #tpu.memory_space<hbm>>) target(%dma_start3A_86 : memref<2944xf32, #tpu.memory_space<vmem>>) target_semaphore(%run_scoped3A_79 : memref<!tpu.dma_semaphore, #tpu.memory_space<semaphore_mem>>)
      %dma_wait3A_90 = arith.constant 23552 : i32
      %dma_wait3A_91 = tpu.memref_slice %arg8[%dma_wait3A_90] : memref<50048xf32, #tpu.memory_space<vmem>> -> memref<2944xf32, #tpu.memory_space<vmem>>
      %dma_wait3A_92 = arith.constant 23552 : i32
      %dma_wait3A_93 = tpu.memref_slice %arg2[%add3A, %run_scoped3A_8, %dma_wait3A_92] : memref<32x1x50048xf32, #tpu.memory_space<hbm>> -> memref<1x1x2944xf32, #tpu.memory_space<hbm>>
      %dma_wait3A_94 = tpu.memref_squeeze %dma_wait3A_93 : memref<1x1x2944xf32, #tpu.memory_space<hbm>> -> memref<2944xf32, #tpu.memory_space<hbm>>
      %dma_wait3A_95 = arith.constant 23552 : i32
      %dma_wait3A_96 = tpu.memref_slice %arg8[%dma_wait3A_95] : memref<50048xf32, #tpu.memory_space<vmem>> -> memref<2944xf32, #tpu.memory_space<vmem>>
      %dma_wait3A_97 = arith.constant 23552 : i32
      %dma_wait3A_98 = tpu.memref_slice %arg2[%add3A, %run_scoped3A_8, %dma_wait3A_97] : memref<32x1x50048xf32, #tpu.memory_space<hbm>> -> memref<1x1x2944xf32, #tpu.memory_space<hbm>>
      %dma_wait3A_99 = tpu.memref_squeeze %dma_wait3A_98 : memref<1x1x2944xf32, #tpu.memory_space<hbm>> -> memref<2944xf32, #tpu.memory_space<hbm>>
      tpu.wait_dma2 semaphore(%run_scoped3A_79 : memref<!tpu.dma_semaphore, #tpu.memory_space<semaphore_mem>>) src(%dma_wait3A_99 : memref<2944xf32, #tpu.memory_space<hbm>>) dst(%dma_wait3A_96 : memref<2944xf32, #tpu.memory_space<vmem>>)
      tpu.yield
    }) : () -> ()
    %run_scoped3A_9 = arith.constant 0 : i32
    "tpu.region"() ({
      %run_scoped3A_79 = tpu.sem_alloc : memref<!tpu.dma_semaphore, #tpu.memory_space<semaphore_mem>>
      %dma_start3A_80 = arith.constant 26496 : i32
      %dma_start3A_81 = tpu.memref_slice %arg8[%dma_start3A_80] : memref<50048xf32, #tpu.memory_space<vmem>> -> memref<2944xf32, #tpu.memory_space<vmem>>
      %dma_start3A_82 = arith.constant 26496 : i32
      %dma_start3A_83 = tpu.memref_slice %arg2[%add3A, %run_scoped3A_9, %dma_start3A_82] : memref<32x1x50048xf32, #tpu.memory_space<hbm>> -> memref<1x1x2944xf32, #tpu.memory_space<hbm>>
      %dma_start3A_84 = tpu.memref_squeeze %dma_start3A_83 : memref<1x1x2944xf32, #tpu.memory_space<hbm>> -> memref<2944xf32, #tpu.memory_space<hbm>>
      %dma_start3A_85 = arith.constant 26496 : i32
      %dma_start3A_86 = tpu.memref_slice %arg8[%dma_start3A_85] : memref<50048xf32, #tpu.memory_space<vmem>> -> memref<2944xf32, #tpu.memory_space<vmem>>
      %dma_start3A_87 = arith.constant 26496 : i32
      %dma_start3A_88 = tpu.memref_slice %arg2[%add3A, %run_scoped3A_9, %dma_start3A_87] : memref<32x1x50048xf32, #tpu.memory_space<hbm>> -> memref<1x1x2944xf32, #tpu.memory_space<hbm>>
      %dma_start3A_89 = tpu.memref_squeeze %dma_start3A_88 : memref<1x1x2944xf32, #tpu.memory_space<hbm>> -> memref<2944xf32, #tpu.memory_space<hbm>>
      tpu.enqueue_dma source(%dma_start3A_89 : memref<2944xf32, #tpu.memory_space<hbm>>) target(%dma_start3A_86 : memref<2944xf32, #tpu.memory_space<vmem>>) target_semaphore(%run_scoped3A_79 : memref<!tpu.dma_semaphore, #tpu.memory_space<semaphore_mem>>)
      %dma_wait3A_90 = arith.constant 26496 : i32
      %dma_wait3A_91 = tpu.memref_slice %arg8[%dma_wait3A_90] : memref<50048xf32, #tpu.memory_space<vmem>> -> memref<2944xf32, #tpu.memory_space<vmem>>
      %dma_wait3A_92 = arith.constant 26496 : i32
      %dma_wait3A_93 = tpu.memref_slice %arg2[%add3A, %run_scoped3A_9, %dma_wait3A_92] : memref<32x1x50048xf32, #tpu.memory_space<hbm>> -> memref<1x1x2944xf32, #tpu.memory_space<hbm>>
      %dma_wait3A_94 = tpu.memref_squeeze %dma_wait3A_93 : memref<1x1x2944xf32, #tpu.memory_space<hbm>> -> memref<2944xf32, #tpu.memory_space<hbm>>
      %dma_wait3A_95 = arith.constant 26496 : i32
      %dma_wait3A_96 = tpu.memref_slice %arg8[%dma_wait3A_95] : memref<50048xf32, #tpu.memory_space<vmem>> -> memref<2944xf32, #tpu.memory_space<vmem>>
      %dma_wait3A_97 = arith.constant 26496 : i32
      %dma_wait3A_98 = tpu.memref_slice %arg2[%add3A, %run_scoped3A_9, %dma_wait3A_97] : memref<32x1x50048xf32, #tpu.memory_space<hbm>> -> memref<1x1x2944xf32, #tpu.memory_space<hbm>>
      %dma_wait3A_99 = tpu.memref_squeeze %dma_wait3A_98 : memref<1x1x2944xf32, #tpu.memory_space<hbm>> -> memref<2944xf32, #tpu.memory_space<hbm>>
      tpu.wait_dma2 semaphore(%run_scoped3A_79 : memref<!tpu.dma_semaphore, #tpu.memory_space<semaphore_mem>>) src(%dma_wait3A_99 : memref<2944xf32, #tpu.memory_space<hbm>>) dst(%dma_wait3A_96 : memref<2944xf32, #tpu.memory_space<vmem>>)
      tpu.yield
    }) : () -> ()
    %run_scoped3A_10 = arith.constant 0 : i32
    "tpu.region"() ({
      %run_scoped3A_79 = tpu.sem_alloc : memref<!tpu.dma_semaphore, #tpu.memory_space<semaphore_mem>>
      %dma_start3A_80 = arith.constant 29440 : i32
      %dma_start3A_81 = tpu.memref_slice %arg8[%dma_start3A_80] : memref<50048xf32, #tpu.memory_space<vmem>> -> memref<2944xf32, #tpu.memory_space<vmem>>
      %dma_start3A_82 = arith.constant 29440 : i32
      %dma_start3A_83 = tpu.memref_slice %arg2[%add3A, %run_scoped3A_10, %dma_start3A_82] : memref<32x1x50048xf32, #tpu.memory_space<hbm>> -> memref<1x1x2944xf32, #tpu.memory_space<hbm>>
      %dma_start3A_84 = tpu.memref_squeeze %dma_start3A_83 : memref<1x1x2944xf32, #tpu.memory_space<hbm>> -> memref<2944xf32, #tpu.memory_space<hbm>>
      %dma_start3A_85 = arith.constant 29440 : i32
      %dma_start3A_86 = tpu.memref_slice %arg8[%dma_start3A_85] : memref<50048xf32, #tpu.memory_space<vmem>> -> memref<2944xf32, #tpu.memory_space<vmem>>
      %dma_start3A_87 = arith.constant 29440 : i32
      %dma_start3A_88 = tpu.memref_slice %arg2[%add3A, %run_scoped3A_10, %dma_start3A_87] : memref<32x1x50048xf32, #tpu.memory_space<hbm>> -> memref<1x1x2944xf32, #tpu.memory_space<hbm>>
      %dma_start3A_89 = tpu.memref_squeeze %dma_start3A_88 : memref<1x1x2944xf32, #tpu.memory_space<hbm>> -> memref<2944xf32, #tpu.memory_space<hbm>>
      tpu.enqueue_dma source(%dma_start3A_89 : memref<2944xf32, #tpu.memory_space<hbm>>) target(%dma_start3A_86 : memref<2944xf32, #tpu.memory_space<vmem>>) target_semaphore(%run_scoped3A_79 : memref<!tpu.dma_semaphore, #tpu.memory_space<semaphore_mem>>)
      %dma_wait3A_90 = arith.constant 29440 : i32
      %dma_wait3A_91 = tpu.memref_slice %arg8[%dma_wait3A_90] : memref<50048xf32, #tpu.memory_space<vmem>> -> memref<2944xf32, #tpu.memory_space<vmem>>
      %dma_wait3A_92 = arith.constant 29440 : i32
      %dma_wait3A_93 = tpu.memref_slice %arg2[%add3A, %run_scoped3A_10, %dma_wait3A_92] : memref<32x1x50048xf32, #tpu.memory_space<hbm>> -> memref<1x1x2944xf32, #tpu.memory_space<hbm>>
      %dma_wait3A_94 = tpu.memref_squeeze %dma_wait3A_93 : memref<1x1x2944xf32, #tpu.memory_space<hbm>> -> memref<2944xf32, #tpu.memory_space<hbm>>
      %dma_wait3A_95 = arith.constant 29440 : i32
      %dma_wait3A_96 = tpu.memref_slice %arg8[%dma_wait3A_95] : memref<50048xf32, #tpu.memory_space<vmem>> -> memref<2944xf32, #tpu.memory_space<vmem>>
      %dma_wait3A_97 = arith.constant 29440 : i32
      %dma_wait3A_98 = tpu.memref_slice %arg2[%add3A, %run_scoped3A_10, %dma_wait3A_97] : memref<32x1x50048xf32, #tpu.memory_space<hbm>> -> memref<1x1x2944xf32, #tpu.memory_space<hbm>>
      %dma_wait3A_99 = tpu.memref_squeeze %dma_wait3A_98 : memref<1x1x2944xf32, #tpu.memory_space<hbm>> -> memref<2944xf32, #tpu.memory_space<hbm>>
      tpu.wait_dma2 semaphore(%run_scoped3A_79 : memref<!tpu.dma_semaphore, #tpu.memory_space<semaphore_mem>>) src(%dma_wait3A_99 : memref<2944xf32, #tpu.memory_space<hbm>>) dst(%dma_wait3A_96 : memref<2944xf32, #tpu.memory_space<vmem>>)
      tpu.yield
    }) : () -> ()
    %run_scoped3A_11 = arith.constant 0 : i32
    "tpu.region"() ({
      %run_scoped3A_79 = tpu.sem_alloc : memref<!tpu.dma_semaphore, #tpu.memory_space<semaphore_mem>>
      %dma_start3A_80 = arith.constant 32384 : i32
      %dma_start3A_81 = tpu.memref_slice %arg8[%dma_start3A_80] : memref<50048xf32, #tpu.memory_space<vmem>> -> memref<2944xf32, #tpu.memory_space<vmem>>
      %dma_start3A_82 = arith.constant 32384 : i32
      %dma_start3A_83 = tpu.memref_slice %arg2[%add3A, %run_scoped3A_11, %dma_start3A_82] : memref<32x1x50048xf32, #tpu.memory_space<hbm>> -> memref<1x1x2944xf32, #tpu.memory_space<hbm>>
      %dma_start3A_84 = tpu.memref_squeeze %dma_start3A_83 : memref<1x1x2944xf32, #tpu.memory_space<hbm>> -> memref<2944xf32, #tpu.memory_space<hbm>>
      %dma_start3A_85 = arith.constant 32384 : i32
      %dma_start3A_86 = tpu.memref_slice %arg8[%dma_start3A_85] : memref<50048xf32, #tpu.memory_space<vmem>> -> memref<2944xf32, #tpu.memory_space<vmem>>
      %dma_start3A_87 = arith.constant 32384 : i32
      %dma_start3A_88 = tpu.memref_slice %arg2[%add3A, %run_scoped3A_11, %dma_start3A_87] : memref<32x1x50048xf32, #tpu.memory_space<hbm>> -> memref<1x1x2944xf32, #tpu.memory_space<hbm>>
      %dma_start3A_89 = tpu.memref_squeeze %dma_start3A_88 : memref<1x1x2944xf32, #tpu.memory_space<hbm>> -> memref<2944xf32, #tpu.memory_space<hbm>>
      tpu.enqueue_dma source(%dma_start3A_89 : memref<2944xf32, #tpu.memory_space<hbm>>) target(%dma_start3A_86 : memref<2944xf32, #tpu.memory_space<vmem>>) target_semaphore(%run_scoped3A_79 : memref<!tpu.dma_semaphore, #tpu.memory_space<semaphore_mem>>)
      %dma_wait3A_90 = arith.constant 32384 : i32
      %dma_wait3A_91 = tpu.memref_slice %arg8[%dma_wait3A_90] : memref<50048xf32, #tpu.memory_space<vmem>> -> memref<2944xf32, #tpu.memory_space<vmem>>
      %dma_wait3A_92 = arith.constant 32384 : i32
      %dma_wait3A_93 = tpu.memref_slice %arg2[%add3A, %run_scoped3A_11, %dma_wait3A_92] : memref<32x1x50048xf32, #tpu.memory_space<hbm>> -> memref<1x1x2944xf32, #tpu.memory_space<hbm>>
      %dma_wait3A_94 = tpu.memref_squeeze %dma_wait3A_93 : memref<1x1x2944xf32, #tpu.memory_space<hbm>> -> memref<2944xf32, #tpu.memory_space<hbm>>
      %dma_wait3A_95 = arith.constant 32384 : i32
      %dma_wait3A_96 = tpu.memref_slice %arg8[%dma_wait3A_95] : memref<50048xf32, #tpu.memory_space<vmem>> -> memref<2944xf32, #tpu.memory_space<vmem>>
      %dma_wait3A_97 = arith.constant 32384 : i32
      %dma_wait3A_98 = tpu.memref_slice %arg2[%add3A, %run_scoped3A_11, %dma_wait3A_97] : memref<32x1x50048xf32, #tpu.memory_space<hbm>> -> memref<1x1x2944xf32, #tpu.memory_space<hbm>>
      %dma_wait3A_99 = tpu.memref_squeeze %dma_wait3A_98 : memref<1x1x2944xf32, #tpu.memory_space<hbm>> -> memref<2944xf32, #tpu.memory_space<hbm>>
      tpu.wait_dma2 semaphore(%run_scoped3A_79 : memref<!tpu.dma_semaphore, #tpu.memory_space<semaphore_mem>>) src(%dma_wait3A_99 : memref<2944xf32, #tpu.memory_space<hbm>>) dst(%dma_wait3A_96 : memref<2944xf32, #tpu.memory_space<vmem>>)
      tpu.yield
    }) : () -> ()
    %run_scoped3A_12 = arith.constant 0 : i32
    "tpu.region"() ({
      %run_scoped3A_79 = tpu.sem_alloc : memref<!tpu.dma_semaphore, #tpu.memory_space<semaphore_mem>>
      %dma_start3A_80 = arith.constant 35328 : i32
      %dma_start3A_81 = tpu.memref_slice %arg8[%dma_start3A_80] : memref<50048xf32, #tpu.memory_space<vmem>> -> memref<2944xf32, #tpu.memory_space<vmem>>
      %dma_start3A_82 = arith.constant 35328 : i32
      %dma_start3A_83 = tpu.memref_slice %arg2[%add3A, %run_scoped3A_12, %dma_start3A_82] : memref<32x1x50048xf32, #tpu.memory_space<hbm>> -> memref<1x1x2944xf32, #tpu.memory_space<hbm>>
      %dma_start3A_84 = tpu.memref_squeeze %dma_start3A_83 : memref<1x1x2944xf32, #tpu.memory_space<hbm>> -> memref<2944xf32, #tpu.memory_space<hbm>>
      %dma_start3A_85 = arith.constant 35328 : i32
      %dma_start3A_86 = tpu.memref_slice %arg8[%dma_start3A_85] : memref<50048xf32, #tpu.memory_space<vmem>> -> memref<2944xf32, #tpu.memory_space<vmem>>
      %dma_start3A_87 = arith.constant 35328 : i32
      %dma_start3A_88 = tpu.memref_slice %arg2[%add3A, %run_scoped3A_12, %dma_start3A_87] : memref<32x1x50048xf32, #tpu.memory_space<hbm>> -> memref<1x1x2944xf32, #tpu.memory_space<hbm>>
      %dma_start3A_89 = tpu.memref_squeeze %dma_start3A_88 : memref<1x1x2944xf32, #tpu.memory_space<hbm>> -> memref<2944xf32, #tpu.memory_space<hbm>>
      tpu.enqueue_dma source(%dma_start3A_89 : memref<2944xf32, #tpu.memory_space<hbm>>) target(%dma_start3A_86 : memref<2944xf32, #tpu.memory_space<vmem>>) target_semaphore(%run_scoped3A_79 : memref<!tpu.dma_semaphore, #tpu.memory_space<semaphore_mem>>)
      %dma_wait3A_90 = arith.constant 35328 : i32
      %dma_wait3A_91 = tpu.memref_slice %arg8[%dma_wait3A_90] : memref<50048xf32, #tpu.memory_space<vmem>> -> memref<2944xf32, #tpu.memory_space<vmem>>
      %dma_wait3A_92 = arith.constant 35328 : i32
      %dma_wait3A_93 = tpu.memref_slice %arg2[%add3A, %run_scoped3A_12, %dma_wait3A_92] : memref<32x1x50048xf32, #tpu.memory_space<hbm>> -> memref<1x1x2944xf32, #tpu.memory_space<hbm>>
      %dma_wait3A_94 = tpu.memref_squeeze %dma_wait3A_93 : memref<1x1x2944xf32, #tpu.memory_space<hbm>> -> memref<2944xf32, #tpu.memory_space<hbm>>
      %dma_wait3A_95 = arith.constant 35328 : i32
      %dma_wait3A_96 = tpu.memref_slice %arg8[%dma_wait3A_95] : memref<50048xf32, #tpu.memory_space<vmem>> -> memref<2944xf32, #tpu.memory_space<vmem>>
      %dma_wait3A_97 = arith.constant 35328 : i32
      %dma_wait3A_98 = tpu.memref_slice %arg2[%add3A, %run_scoped3A_12, %dma_wait3A_97] : memref<32x1x50048xf32, #tpu.memory_space<hbm>> -> memref<1x1x2944xf32, #tpu.memory_space<hbm>>
      %dma_wait3A_99 = tpu.memref_squeeze %dma_wait3A_98 : memref<1x1x2944xf32, #tpu.memory_space<hbm>> -> memref<2944xf32, #tpu.memory_space<hbm>>
      tpu.wait_dma2 semaphore(%run_scoped3A_79 : memref<!tpu.dma_semaphore, #tpu.memory_space<semaphore_mem>>) src(%dma_wait3A_99 : memref<2944xf32, #tpu.memory_space<hbm>>) dst(%dma_wait3A_96 : memref<2944xf32, #tpu.memory_space<vmem>>)
      tpu.yield
    }) : () -> ()
    %run_scoped3A_13 = arith.constant 0 : i32
    "tpu.region"() ({
      %run_scoped3A_79 = tpu.sem_alloc : memref<!tpu.dma_semaphore, #tpu.memory_space<semaphore_mem>>
      %dma_start3A_80 = arith.constant 38272 : i32
      %dma_start3A_81 = tpu.memref_slice %arg8[%dma_start3A_80] : memref<50048xf32, #tpu.memory_space<vmem>> -> memref<2944xf32, #tpu.memory_space<vmem>>
      %dma_start3A_82 = arith.constant 38272 : i32
      %dma_start3A_83 = tpu.memref_slice %arg2[%add3A, %run_scoped3A_13, %dma_start3A_82] : memref<32x1x50048xf32, #tpu.memory_space<hbm>> -> memref<1x1x2944xf32, #tpu.memory_space<hbm>>
      %dma_start3A_84 = tpu.memref_squeeze %dma_start3A_83 : memref<1x1x2944xf32, #tpu.memory_space<hbm>> -> memref<2944xf32, #tpu.memory_space<hbm>>
      %dma_start3A_85 = arith.constant 38272 : i32
      %dma_start3A_86 = tpu.memref_slice %arg8[%dma_start3A_85] : memref<50048xf32, #tpu.memory_space<vmem>> -> memref<2944xf32, #tpu.memory_space<vmem>>
      %dma_start3A_87 = arith.constant 38272 : i32
      %dma_start3A_88 = tpu.memref_slice %arg2[%add3A, %run_scoped3A_13, %dma_start3A_87] : memref<32x1x50048xf32, #tpu.memory_space<hbm>> -> memref<1x1x2944xf32, #tpu.memory_space<hbm>>
      %dma_start3A_89 = tpu.memref_squeeze %dma_start3A_88 : memref<1x1x2944xf32, #tpu.memory_space<hbm>> -> memref<2944xf32, #tpu.memory_space<hbm>>
      tpu.enqueue_dma source(%dma_start3A_89 : memref<2944xf32, #tpu.memory_space<hbm>>) target(%dma_start3A_86 : memref<2944xf32, #tpu.memory_space<vmem>>) target_semaphore(%run_scoped3A_79 : memref<!tpu.dma_semaphore, #tpu.memory_space<semaphore_mem>>)
      %dma_wait3A_90 = arith.constant 38272 : i32
      %dma_wait3A_91 = tpu.memref_slice %arg8[%dma_wait3A_90] : memref<50048xf32, #tpu.memory_space<vmem>> -> memref<2944xf32, #tpu.memory_space<vmem>>
      %dma_wait3A_92 = arith.constant 38272 : i32
      %dma_wait3A_93 = tpu.memref_slice %arg2[%add3A, %run_scoped3A_13, %dma_wait3A_92] : memref<32x1x50048xf32, #tpu.memory_space<hbm>> -> memref<1x1x2944xf32, #tpu.memory_space<hbm>>
      %dma_wait3A_94 = tpu.memref_squeeze %dma_wait3A_93 : memref<1x1x2944xf32, #tpu.memory_space<hbm>> -> memref<2944xf32, #tpu.memory_space<hbm>>
      %dma_wait3A_95 = arith.constant 38272 : i32
      %dma_wait3A_96 = tpu.memref_slice %arg8[%dma_wait3A_95] : memref<50048xf32, #tpu.memory_space<vmem>> -> memref<2944xf32, #tpu.memory_space<vmem>>
      %dma_wait3A_97 = arith.constant 38272 : i32
      %dma_wait3A_98 = tpu.memref_slice %arg2[%add3A, %run_scoped3A_13, %dma_wait3A_97] : memref<32x1x50048xf32, #tpu.memory_space<hbm>> -> memref<1x1x2944xf32, #tpu.memory_space<hbm>>
      %dma_wait3A_99 = tpu.memref_squeeze %dma_wait3A_98 : memref<1x1x2944xf32, #tpu.memory_space<hbm>> -> memref<2944xf32, #tpu.memory_space<hbm>>
      tpu.wait_dma2 semaphore(%run_scoped3A_79 : memref<!tpu.dma_semaphore, #tpu.memory_space<semaphore_mem>>) src(%dma_wait3A_99 : memref<2944xf32, #tpu.memory_space<hbm>>) dst(%dma_wait3A_96 : memref<2944xf32, #tpu.memory_space<vmem>>)
      tpu.yield
    }) : () -> ()
    %run_scoped3A_14 = arith.constant 0 : i32
    "tpu.region"() ({
      %run_scoped3A_79 = tpu.sem_alloc : memref<!tpu.dma_semaphore, #tpu.memory_space<semaphore_mem>>
      %dma_start3A_80 = arith.constant 41216 : i32
      %dma_start3A_81 = tpu.memref_slice %arg8[%dma_start3A_80] : memref<50048xf32, #tpu.memory_space<vmem>> -> memref<2944xf32, #tpu.memory_space<vmem>>
      %dma_start3A_82 = arith.constant 41216 : i32
      %dma_start3A_83 = tpu.memref_slice %arg2[%add3A, %run_scoped3A_14, %dma_start3A_82] : memref<32x1x50048xf32, #tpu.memory_space<hbm>> -> memref<1x1x2944xf32, #tpu.memory_space<hbm>>
      %dma_start3A_84 = tpu.memref_squeeze %dma_start3A_83 : memref<1x1x2944xf32, #tpu.memory_space<hbm>> -> memref<2944xf32, #tpu.memory_space<hbm>>
      %dma_start3A_85 = arith.constant 41216 : i32
      %dma_start3A_86 = tpu.memref_slice %arg8[%dma_start3A_85] : memref<50048xf32, #tpu.memory_space<vmem>> -> memref<2944xf32, #tpu.memory_space<vmem>>
      %dma_start3A_87 = arith.constant 41216 : i32
      %dma_start3A_88 = tpu.memref_slice %arg2[%add3A, %run_scoped3A_14, %dma_start3A_87] : memref<32x1x50048xf32, #tpu.memory_space<hbm>> -> memref<1x1x2944xf32, #tpu.memory_space<hbm>>
      %dma_start3A_89 = tpu.memref_squeeze %dma_start3A_88 : memref<1x1x2944xf32, #tpu.memory_space<hbm>> -> memref<2944xf32, #tpu.memory_space<hbm>>
      tpu.enqueue_dma source(%dma_start3A_89 : memref<2944xf32, #tpu.memory_space<hbm>>) target(%dma_start3A_86 : memref<2944xf32, #tpu.memory_space<vmem>>) target_semaphore(%run_scoped3A_79 : memref<!tpu.dma_semaphore, #tpu.memory_space<semaphore_mem>>)
      %dma_wait3A_90 = arith.constant 41216 : i32
      %dma_wait3A_91 = tpu.memref_slice %arg8[%dma_wait3A_90] : memref<50048xf32, #tpu.memory_space<vmem>> -> memref<2944xf32, #tpu.memory_space<vmem>>
      %dma_wait3A_92 = arith.constant 41216 : i32
      %dma_wait3A_93 = tpu.memref_slice %arg2[%add3A, %run_scoped3A_14, %dma_wait3A_92] : memref<32x1x50048xf32, #tpu.memory_space<hbm>> -> memref<1x1x2944xf32, #tpu.memory_space<hbm>>
      %dma_wait3A_94 = tpu.memref_squeeze %dma_wait3A_93 : memref<1x1x2944xf32, #tpu.memory_space<hbm>> -> memref<2944xf32, #tpu.memory_space<hbm>>
      %dma_wait3A_95 = arith.constant 41216 : i32
      %dma_wait3A_96 = tpu.memref_slice %arg8[%dma_wait3A_95] : memref<50048xf32, #tpu.memory_space<vmem>> -> memref<2944xf32, #tpu.memory_space<vmem>>
      %dma_wait3A_97 = arith.constant 41216 : i32
      %dma_wait3A_98 = tpu.memref_slice %arg2[%add3A, %run_scoped3A_14, %dma_wait3A_97] : memref<32x1x50048xf32, #tpu.memory_space<hbm>> -> memref<1x1x2944xf32, #tpu.memory_space<hbm>>
      %dma_wait3A_99 = tpu.memref_squeeze %dma_wait3A_98 : memref<1x1x2944xf32, #tpu.memory_space<hbm>> -> memref<2944xf32, #tpu.memory_space<hbm>>
      tpu.wait_dma2 semaphore(%run_scoped3A_79 : memref<!tpu.dma_semaphore, #tpu.memory_space<semaphore_mem>>) src(%dma_wait3A_99 : memref<2944xf32, #tpu.memory_space<hbm>>) dst(%dma_wait3A_96 : memref<2944xf32, #tpu.memory_space<vmem>>)
      tpu.yield
    }) : () -> ()
    %run_scoped3A_15 = arith.constant 0 : i32
    "tpu.region"() ({
      %run_scoped3A_79 = tpu.sem_alloc : memref<!tpu.dma_semaphore, #tpu.memory_space<semaphore_mem>>
      %dma_start3A_80 = arith.constant 44160 : i32
      %dma_start3A_81 = tpu.memref_slice %arg8[%dma_start3A_80] : memref<50048xf32, #tpu.memory_space<vmem>> -> memref<2944xf32, #tpu.memory_space<vmem>>
      %dma_start3A_82 = arith.constant 44160 : i32
      %dma_start3A_83 = tpu.memref_slice %arg2[%add3A, %run_scoped3A_15, %dma_start3A_82] : memref<32x1x50048xf32, #tpu.memory_space<hbm>> -> memref<1x1x2944xf32, #tpu.memory_space<hbm>>
      %dma_start3A_84 = tpu.memref_squeeze %dma_start3A_83 : memref<1x1x2944xf32, #tpu.memory_space<hbm>> -> memref<2944xf32, #tpu.memory_space<hbm>>
      %dma_start3A_85 = arith.constant 44160 : i32
      %dma_start3A_86 = tpu.memref_slice %arg8[%dma_start3A_85] : memref<50048xf32, #tpu.memory_space<vmem>> -> memref<2944xf32, #tpu.memory_space<vmem>>
      %dma_start3A_87 = arith.constant 44160 : i32
      %dma_start3A_88 = tpu.memref_slice %arg2[%add3A, %run_scoped3A_15, %dma_start3A_87] : memref<32x1x50048xf32, #tpu.memory_space<hbm>> -> memref<1x1x2944xf32, #tpu.memory_space<hbm>>
      %dma_start3A_89 = tpu.memref_squeeze %dma_start3A_88 : memref<1x1x2944xf32, #tpu.memory_space<hbm>> -> memref<2944xf32, #tpu.memory_space<hbm>>
      tpu.enqueue_dma source(%dma_start3A_89 : memref<2944xf32, #tpu.memory_space<hbm>>) target(%dma_start3A_86 : memref<2944xf32, #tpu.memory_space<vmem>>) target_semaphore(%run_scoped3A_79 : memref<!tpu.dma_semaphore, #tpu.memory_space<semaphore_mem>>)
      %dma_wait3A_90 = arith.constant 44160 : i32
      %dma_wait3A_91 = tpu.memref_slice %arg8[%dma_wait3A_90] : memref<50048xf32, #tpu.memory_space<vmem>> -> memref<2944xf32, #tpu.memory_space<vmem>>
      %dma_wait3A_92 = arith.constant 44160 : i32
      %dma_wait3A_93 = tpu.memref_slice %arg2[%add3A, %run_scoped3A_15, %dma_wait3A_92] : memref<32x1x50048xf32, #tpu.memory_space<hbm>> -> memref<1x1x2944xf32, #tpu.memory_space<hbm>>
      %dma_wait3A_94 = tpu.memref_squeeze %dma_wait3A_93 : memref<1x1x2944xf32, #tpu.memory_space<hbm>> -> memref<2944xf32, #tpu.memory_space<hbm>>
      %dma_wait3A_95 = arith.constant 44160 : i32
      %dma_wait3A_96 = tpu.memref_slice %arg8[%dma_wait3A_95] : memref<50048xf32, #tpu.memory_space<vmem>> -> memref<2944xf32, #tpu.memory_space<vmem>>
      %dma_wait3A_97 = arith.constant 44160 : i32
      %dma_wait3A_98 = tpu.memref_slice %arg2[%add3A, %run_scoped3A_15, %dma_wait3A_97] : memref<32x1x50048xf32, #tpu.memory_space<hbm>> -> memref<1x1x2944xf32, #tpu.memory_space<hbm>>
      %dma_wait3A_99 = tpu.memref_squeeze %dma_wait3A_98 : memref<1x1x2944xf32, #tpu.memory_space<hbm>> -> memref<2944xf32, #tpu.memory_space<hbm>>
      tpu.wait_dma2 semaphore(%run_scoped3A_79 : memref<!tpu.dma_semaphore, #tpu.memory_space<semaphore_mem>>) src(%dma_wait3A_99 : memref<2944xf32, #tpu.memory_space<hbm>>) dst(%dma_wait3A_96 : memref<2944xf32, #tpu.memory_space<vmem>>)
      tpu.yield
    }) : () -> ()
    %run_scoped3A_16 = arith.constant 0 : i32
    "tpu.region"() ({
      %run_scoped3A_79 = tpu.sem_alloc : memref<!tpu.dma_semaphore, #tpu.memory_space<semaphore_mem>>
      %dma_start3A_80 = arith.constant 47104 : i32
      %dma_start3A_81 = tpu.memref_slice %arg8[%dma_start3A_80] : memref<50048xf32, #tpu.memory_space<vmem>> -> memref<2944xf32, #tpu.memory_space<vmem>>
      %dma_start3A_82 = arith.constant 47104 : i32
      %dma_start3A_83 = tpu.memref_slice %arg2[%add3A, %run_scoped3A_16, %dma_start3A_82] : memref<32x1x50048xf32, #tpu.memory_space<hbm>> -> memref<1x1x2944xf32, #tpu.memory_space<hbm>>
      %dma_start3A_84 = tpu.memref_squeeze %dma_start3A_83 : memref<1x1x2944xf32, #tpu.memory_space<hbm>> -> memref<2944xf32, #tpu.memory_space<hbm>>
      %dma_start3A_85 = arith.constant 47104 : i32
      %dma_start3A_86 = tpu.memref_slice %arg8[%dma_start3A_85] : memref<50048xf32, #tpu.memory_space<vmem>> -> memref<2944xf32, #tpu.memory_space<vmem>>
      %dma_start3A_87 = arith.constant 47104 : i32
      %dma_start3A_88 = tpu.memref_slice %arg2[%add3A, %run_scoped3A_16, %dma_start3A_87] : memref<32x1x50048xf32, #tpu.memory_space<hbm>> -> memref<1x1x2944xf32, #tpu.memory_space<hbm>>
      %dma_start3A_89 = tpu.memref_squeeze %dma_start3A_88 : memref<1x1x2944xf32, #tpu.memory_space<hbm>> -> memref<2944xf32, #tpu.memory_space<hbm>>
      tpu.enqueue_dma source(%dma_start3A_89 : memref<2944xf32, #tpu.memory_space<hbm>>) target(%dma_start3A_86 : memref<2944xf32, #tpu.memory_space<vmem>>) target_semaphore(%run_scoped3A_79 : memref<!tpu.dma_semaphore, #tpu.memory_space<semaphore_mem>>)
      %dma_wait3A_90 = arith.constant 47104 : i32
      %dma_wait3A_91 = tpu.memref_slice %arg8[%dma_wait3A_90] : memref<50048xf32, #tpu.memory_space<vmem>> -> memref<2944xf32, #tpu.memory_space<vmem>>
      %dma_wait3A_92 = arith.constant 47104 : i32
      %dma_wait3A_93 = tpu.memref_slice %arg2[%add3A, %run_scoped3A_16, %dma_wait3A_92] : memref<32x1x50048xf32, #tpu.memory_space<hbm>> -> memref<1x1x2944xf32, #tpu.memory_space<hbm>>
      %dma_wait3A_94 = tpu.memref_squeeze %dma_wait3A_93 : memref<1x1x2944xf32, #tpu.memory_space<hbm>> -> memref<2944xf32, #tpu.memory_space<hbm>>
      %dma_wait3A_95 = arith.constant 47104 : i32
      %dma_wait3A_96 = tpu.memref_slice %arg8[%dma_wait3A_95] : memref<50048xf32, #tpu.memory_space<vmem>> -> memref<2944xf32, #tpu.memory_space<vmem>>
      %dma_wait3A_97 = arith.constant 47104 : i32
      %dma_wait3A_98 = tpu.memref_slice %arg2[%add3A, %run_scoped3A_16, %dma_wait3A_97] : memref<32x1x50048xf32, #tpu.memory_space<hbm>> -> memref<1x1x2944xf32, #tpu.memory_space<hbm>>
      %dma_wait3A_99 = tpu.memref_squeeze %dma_wait3A_98 : memref<1x1x2944xf32, #tpu.memory_space<hbm>> -> memref<2944xf32, #tpu.memory_space<hbm>>
      tpu.wait_dma2 semaphore(%run_scoped3A_79 : memref<!tpu.dma_semaphore, #tpu.memory_space<semaphore_mem>>) src(%dma_wait3A_99 : memref<2944xf32, #tpu.memory_space<hbm>>) dst(%dma_wait3A_96 : memref<2944xf32, #tpu.memory_space<vmem>>)
      tpu.yield
    }) : () -> ()
    %scan3A = arith.constant 0 : i32
    %scan3A_17 = arith.constant 0 : i32
    %scan3A_18 = arith.constant 3136 : i32
    %scan3A_19 = arith.addi %scan3A_17, %scan3A_18 : i32
    %scan3A_20 = arith.constant 1 : i32
    scf.for %scan3A_79 = %scan3A_17 to %scan3A_19 step %scan3A_20  : i32 {
      %broadcast_in_dim3A = arith.constant 0.000000e+00 : f32
      %broadcast_in_dim3A_80 = vector.broadcast %broadcast_in_dim3A : f32 to vector<16xf32>
      %mul3A_81 = arith.constant 16 : i32
      %mul3A_82 = arith.muli %scan3A_79, %mul3A_81 : i32
      %swap3A = arith.index_cast %mul3A_82 : i32 to index
      %swap3A_83 = tpu.vector_load %arg9[%swap3A] {strides = array<i32>} : memref<50176xf32, #tpu.memory_space<vmem>>, vector<16xf32>,
      tpu.vector_store %arg9[%swap3A], %broadcast_in_dim3A_80 {strides = array<i32>} : memref<50176xf32, #tpu.memory_space<vmem>>, vector<16xf32>,
    }
    %scan3A_21 = arith.constant 3136 : i32
    %multiple_of3A = arith.constant 0 : i32
    %multiple_of3A_22 = tpu.assume_multiple %multiple_of3A, 8 : i32
    %dma_start3A = tpu.memref_slice %arg4[%multiple_of3A_22] : memref<800000xi32, #tpu.memory_space<hbm>> -> memref<1280xi32, #tpu.memory_space<hbm>>
    %dma_start3A_23 = tpu.memref_slice %arg4[%multiple_of3A_22] : memref<800000xi32, #tpu.memory_space<hbm>> -> memref<1280xi32, #tpu.memory_space<hbm>>
    tpu.enqueue_dma source(%dma_start3A_23 : memref<1280xi32, #tpu.memory_space<hbm>>) target(%arg10 : memref<1280xi32, #tpu.memory_space<vmem>>) target_semaphore(%arg18 : memref<!tpu.dma_semaphore, #tpu.memory_space<semaphore_mem>>)
    %dma_start3A_24 = tpu.memref_slice %arg5[%multiple_of3A_22] : memref<800000xi32, #tpu.memory_space<hbm>> -> memref<1280xi32, #tpu.memory_space<hbm>>
    %dma_start3A_25 = tpu.memref_slice %arg5[%multiple_of3A_22] : memref<800000xi32, #tpu.memory_space<hbm>> -> memref<1280xi32, #tpu.memory_space<hbm>>
    tpu.enqueue_dma source(%dma_start3A_25 : memref<1280xi32, #tpu.memory_space<hbm>>) target(%arg11 : memref<1280xi32, #tpu.memory_space<vmem>>) target_semaphore(%arg18 : memref<!tpu.dma_semaphore, #tpu.memory_space<semaphore_mem>>)
    %dma_start3A_26 = tpu.memref_slice %arg6[%multiple_of3A_22] : memref<800000xf32, #tpu.memory_space<hbm>> -> memref<1280xf32, #tpu.memory_space<hbm>>
    %dma_start3A_27 = tpu.memref_slice %arg6[%multiple_of3A_22] : memref<800000xf32, #tpu.memory_space<hbm>> -> memref<1280xf32, #tpu.memory_space<hbm>>
    tpu.enqueue_dma source(%dma_start3A_27 : memref<1280xf32, #tpu.memory_space<hbm>>) target(%arg12 : memref<1280xf32, #tpu.memory_space<vmem>>) target_semaphore(%arg18 : memref<!tpu.dma_semaphore, #tpu.memory_space<semaphore_mem>>)
    %dma_start3A_28 = arith.constant 0 : i32
    %dma_start3A_29 = tpu.memref_slice %arg3[%add3A, %dma_start3A_28, %multiple_of3A_22] : memref<32x1x800000xf32, #tpu.memory_space<hbm>> -> memref<1x1x1280xf32, #tpu.memory_space<hbm>>
    %dma_start3A_30 = tpu.memref_squeeze %dma_start3A_29 : memref<1x1x1280xf32, #tpu.memory_space<hbm>> -> memref<1280xf32, #tpu.memory_space<hbm>>
    %dma_start3A_31 = tpu.memref_slice %arg3[%add3A, %dma_start3A_28, %multiple_of3A_22] : memref<32x1x800000xf32, #tpu.memory_space<hbm>> -> memref<1x1x1280xf32, #tpu.memory_space<hbm>>
    %dma_start3A_32 = tpu.memref_squeeze %dma_start3A_31 : memref<1x1x1280xf32, #tpu.memory_space<hbm>> -> memref<1280xf32, #tpu.memory_space<hbm>>
    tpu.enqueue_dma source(%dma_start3A_32 : memref<1280xf32, #tpu.memory_space<hbm>>) target(%arg13 : memref<1280xf32, #tpu.memory_space<vmem>>) target_semaphore(%arg18 : memref<!tpu.dma_semaphore, #tpu.memory_space<semaphore_mem>>)
    %scan3A_33 = arith.constant 0 : i32
    %scan3A_34 = arith.constant 312 : i32
    %scan3A_35 = arith.addi %scan3A_33, %scan3A_34 : i32
    %scan3A_36 = arith.constant 1 : i32
    scf.for %scan3A_79 = %scan3A_33 to %scan3A_35 step %scan3A_36  : i32 {
      %mul3A_80 = arith.constant 1 : i32
      %mul3A_81 = arith.muli %scan3A_79, %mul3A_80 : i32
      %add3A_82 = arith.constant 0 : i32
      %add3A_83 = arith.addi %add3A_82, %mul3A_81 : i32
      %mul3A_84 = arith.constant 2 : i32
      %mul3A_85 = arith.muli %mul3A_84, %add3A_83 : i32
      %add3A_86 = arith.constant 1 : i32
      %add3A_87 = arith.addi %mul3A_85, %add3A_86 : i32
      %mul3A_88 = arith.constant 1280 : i32
      %mul3A_89 = arith.muli %add3A_87, %mul3A_88 : i32
      %multiple_of3A_90 = tpu.assume_multiple %mul3A_89, 8 : i32
      %dma_start3A_91 = tpu.memref_slice %arg4[%multiple_of3A_90] : memref<800000xi32, #tpu.memory_space<hbm>> -> memref<1280xi32, #tpu.memory_space<hbm>>
      %dma_start3A_92 = tpu.memref_slice %arg4[%multiple_of3A_90] : memref<800000xi32, #tpu.memory_space<hbm>> -> memref<1280xi32, #tpu.memory_space<hbm>>
      tpu.enqueue_dma source(%dma_start3A_92 : memref<1280xi32, #tpu.memory_space<hbm>>) target(%arg14 : memref<1280xi32, #tpu.memory_space<vmem>>) target_semaphore(%arg19 : memref<!tpu.dma_semaphore, #tpu.memory_space<semaphore_mem>>)
      %dma_start3A_93 = tpu.memref_slice %arg5[%multiple_of3A_90] : memref<800000xi32, #tpu.memory_space<hbm>> -> memref<1280xi32, #tpu.memory_space<hbm>>
      %dma_start3A_94 = tpu.memref_slice %arg5[%multiple_of3A_90] : memref<800000xi32, #tpu.memory_space<hbm>> -> memref<1280xi32, #tpu.memory_space<hbm>>
      tpu.enqueue_dma source(%dma_start3A_94 : memref<1280xi32, #tpu.memory_space<hbm>>) target(%arg15 : memref<1280xi32, #tpu.memory_space<vmem>>) target_semaphore(%arg19 : memref<!tpu.dma_semaphore, #tpu.memory_space<semaphore_mem>>)
      %dma_start3A_95 = tpu.memref_slice %arg6[%multiple_of3A_90] : memref<800000xf32, #tpu.memory_space<hbm>> -> memref<1280xf32, #tpu.memory_space<hbm>>
      %dma_start3A_96 = tpu.memref_slice %arg6[%multiple_of3A_90] : memref<800000xf32, #tpu.memory_space<hbm>> -> memref<1280xf32, #tpu.memory_space<hbm>>
      tpu.enqueue_dma source(%dma_start3A_96 : memref<1280xf32, #tpu.memory_space<hbm>>) target(%arg16 : memref<1280xf32, #tpu.memory_space<vmem>>) target_semaphore(%arg19 : memref<!tpu.dma_semaphore, #tpu.memory_space<semaphore_mem>>)
      %dma_start3A_97 = arith.constant 0 : i32
      %dma_start3A_98 = tpu.memref_slice %arg3[%add3A, %dma_start3A_97, %multiple_of3A_90] : memref<32x1x800000xf32, #tpu.memory_space<hbm>> -> memref<1x1x1280xf32, #tpu.memory_space<hbm>>
      %dma_start3A_99 = tpu.memref_squeeze %dma_start3A_98 : memref<1x1x1280xf32, #tpu.memory_space<hbm>> -> memref<1280xf32, #tpu.memory_space<hbm>>
      %dma_start3A_100 = tpu.memref_slice %arg3[%add3A, %dma_start3A_97, %multiple_of3A_90] : memref<32x1x800000xf32, #tpu.memory_space<hbm>> -> memref<1x1x1280xf32, #tpu.memory_space<hbm>>
      %dma_start3A_101 = tpu.memref_squeeze %dma_start3A_100 : memref<1x1x1280xf32, #tpu.memory_space<hbm>> -> memref<1280xf32, #tpu.memory_space<hbm>>
      tpu.enqueue_dma source(%dma_start3A_101 : memref<1280xf32, #tpu.memory_space<hbm>>) target(%arg17 : memref<1280xf32, #tpu.memory_space<vmem>>) target_semaphore(%arg19 : memref<!tpu.dma_semaphore, #tpu.memory_space<semaphore_mem>>)
      %dma_wait3A_102 = arith.constant 0 : i32
      %dma_wait3A_103 = tpu.memref_slice %arg4[%dma_wait3A_102] : memref<800000xi32, #tpu.memory_space<hbm>> -> memref<1280xi32, #tpu.memory_space<hbm>>
      %dma_wait3A_104 = arith.constant 0 : i32
      %dma_wait3A_105 = tpu.memref_slice %arg4[%dma_wait3A_104] : memref<800000xi32, #tpu.memory_space<hbm>> -> memref<1280xi32, #tpu.memory_space<hbm>>
      tpu.wait_dma2 semaphore(%arg18 : memref<!tpu.dma_semaphore, #tpu.memory_space<semaphore_mem>>) src(%dma_wait3A_105 : memref<1280xi32, #tpu.memory_space<hbm>>) dst(%arg10 : memref<1280xi32, #tpu.memory_space<vmem>>)
      %dma_wait3A_106 = arith.constant 0 : i32
      %dma_wait3A_107 = tpu.memref_slice %arg5[%dma_wait3A_106] : memref<800000xi32, #tpu.memory_space<hbm>> -> memref<1280xi32, #tpu.memory_space<hbm>>
      %dma_wait3A_108 = arith.constant 0 : i32
      %dma_wait3A_109 = tpu.memref_slice %arg5[%dma_wait3A_108] : memref<800000xi32, #tpu.memory_space<hbm>> -> memref<1280xi32, #tpu.memory_space<hbm>>
      tpu.wait_dma2 semaphore(%arg18 : memref<!tpu.dma_semaphore, #tpu.memory_space<semaphore_mem>>) src(%dma_wait3A_109 : memref<1280xi32, #tpu.memory_space<hbm>>) dst(%arg11 : memref<1280xi32, #tpu.memory_space<vmem>>)
      %dma_wait3A_110 = arith.constant 0 : i32
      %dma_wait3A_111 = tpu.memref_slice %arg6[%dma_wait3A_110] : memref<800000xf32, #tpu.memory_space<hbm>> -> memref<1280xf32, #tpu.memory_space<hbm>>
      %dma_wait3A_112 = arith.constant 0 : i32
      %dma_wait3A_113 = tpu.memref_slice %arg6[%dma_wait3A_112] : memref<800000xf32, #tpu.memory_space<hbm>> -> memref<1280xf32, #tpu.memory_space<hbm>>
      tpu.wait_dma2 semaphore(%arg18 : memref<!tpu.dma_semaphore, #tpu.memory_space<semaphore_mem>>) src(%dma_wait3A_113 : memref<1280xf32, #tpu.memory_space<hbm>>) dst(%arg12 : memref<1280xf32, #tpu.memory_space<vmem>>)
      %dma_wait3A_114 = arith.constant 0 : i32
      %dma_wait3A_115 = arith.constant 0 : i32
      %dma_wait3A_116 = tpu.memref_slice %arg3[%add3A, %dma_wait3A_114, %dma_wait3A_115] : memref<32x1x800000xf32, #tpu.memory_space<hbm>> -> memref<1x1x1280xf32, #tpu.memory_space<hbm>>
      %dma_wait3A_117 = tpu.memref_squeeze %dma_wait3A_116 : memref<1x1x1280xf32, #tpu.memory_space<hbm>> -> memref<1280xf32, #tpu.memory_space<hbm>>
      %dma_wait3A_118 = arith.constant 0 : i32
      %dma_wait3A_119 = tpu.memref_slice %arg3[%add3A, %dma_wait3A_114, %dma_wait3A_118] : memref<32x1x800000xf32, #tpu.memory_space<hbm>> -> memref<1x1x1280xf32, #tpu.memory_space<hbm>>
      %dma_wait3A_120 = tpu.memref_squeeze %dma_wait3A_119 : memref<1x1x1280xf32, #tpu.memory_space<hbm>> -> memref<1280xf32, #tpu.memory_space<hbm>>
      tpu.wait_dma2 semaphore(%arg18 : memref<!tpu.dma_semaphore, #tpu.memory_space<semaphore_mem>>) src(%dma_wait3A_120 : memref<1280xf32, #tpu.memory_space<hbm>>) dst(%arg13 : memref<1280xf32, #tpu.memory_space<vmem>>)
      %parallel_loop3A_121 = arith.constant 0 : i32
      %parallel_loop3A_122 = arith.constant 80 : i32
      %parallel_loop3A_123 = arith.constant 1 : i32
      scf.for %parallel_loop3A_150 = %parallel_loop3A_121 to %parallel_loop3A_122 step %parallel_loop3A_123  : i32 {
        %parallel_loop3A_151 = arith.constant 16 : i32
        %parallel_loop3A_152 = arith.muli %parallel_loop3A_150, %parallel_loop3A_151 : i32
        %parallel_loop3A_153 = arith.index_cast %parallel_loop3A_152 : i32 to index
        %parallel_loop3A_154 = tpu.vector_load %arg10[%parallel_loop3A_153] {strides = array<i32>} : memref<1280xi32, #tpu.memory_space<vmem>>, vector<16xi32>,
        %parallel_loop3A_155 = tpu.vector_load_idx %arg8[%parallel_loop3A_154] : memref<50048xf32, #tpu.memory_space<vmem>>[vector<16xi32>], vector<16xf32>,
        %parallel_loop3A_156 = arith.index_cast %parallel_loop3A_152 : i32 to index
        %parallel_loop3A_157 = tpu.vector_load %arg12[%parallel_loop3A_156] {strides = array<i32>} : memref<1280xf32, #tpu.memory_space<vmem>>, vector<16xf32>,
        %parallel_loop3A_158 = arith.mulf %parallel_loop3A_155, %parallel_loop3A_157 : vector<16xf32>
        %parallel_loop3A_159 = arith.index_cast %parallel_loop3A_152 : i32 to index
        %parallel_loop3A_160 = tpu.vector_load %arg13[%parallel_loop3A_159] {strides = array<i32>} : memref<1280xf32, #tpu.memory_space<vmem>>, vector<16xf32>,
        %parallel_loop3A_161 = arith.addf %parallel_loop3A_158, %parallel_loop3A_160 : vector<16xf32>
        %parallel_loop3A_162 = arith.index_cast %parallel_loop3A_152 : i32 to index
        %parallel_loop3A_163 = tpu.vector_load %arg11[%parallel_loop3A_162] {strides = array<i32>} : memref<1280xi32, #tpu.memory_space<vmem>>, vector<16xi32>,
        tpu.vector_store_idx %arg9[%parallel_loop3A_163], %parallel_loop3A_161 {add = true} : memref<50176xf32, #tpu.memory_space<vmem>>[vector<16xi32>], vector<16xf32>,
      } {sc.loop_unroll_factor = 16 : i64, sc.parallel_access}
      %add3A_124 = arith.constant 1 : i32
      %add3A_125 = arith.addi %add3A_83, %add3A_124 : i32
      %lt3A = arith.constant 312 : i32
      %lt3A_126 = arith.cmpi slt, %add3A_125, %lt3A : i32
      %convert_element_type3A = arith.extui %lt3A_126 : i1 to i32
      %cond3A = arith.constant 0 : i32
      %cond3A_127 = arith.cmpi ne, %convert_element_type3A, %cond3A : i32
      scf.if %cond3A_127 {
        %mul3A_150 = arith.constant 2 : i32
        %mul3A_151 = arith.muli %mul3A_150, %add3A_83 : i32
        %add3A_152 = arith.constant 2 : i32
        %add3A_153 = arith.addi %mul3A_151, %add3A_152 : i32
        %mul3A_154 = arith.constant 1280 : i32
        %mul3A_155 = arith.muli %add3A_153, %mul3A_154 : i32
        %multiple_of3A_156 = tpu.assume_multiple %mul3A_155, 8 : i32
        %dma_start3A_157 = tpu.memref_slice %arg4[%multiple_of3A_156] : memref<800000xi32, #tpu.memory_space<hbm>> -> memref<1280xi32, #tpu.memory_space<hbm>>
        %dma_start3A_158 = tpu.memref_slice %arg4[%multiple_of3A_156] : memref<800000xi32, #tpu.memory_space<hbm>> -> memref<1280xi32, #tpu.memory_space<hbm>>
        tpu.enqueue_dma source(%dma_start3A_158 : memref<1280xi32, #tpu.memory_space<hbm>>) target(%arg10 : memref<1280xi32, #tpu.memory_space<vmem>>) target_semaphore(%arg18 : memref<!tpu.dma_semaphore, #tpu.memory_space<semaphore_mem>>)
        %dma_start3A_159 = tpu.memref_slice %arg5[%multiple_of3A_156] : memref<800000xi32, #tpu.memory_space<hbm>> -> memref<1280xi32, #tpu.memory_space<hbm>>
        %dma_start3A_160 = tpu.memref_slice %arg5[%multiple_of3A_156] : memref<800000xi32, #tpu.memory_space<hbm>> -> memref<1280xi32, #tpu.memory_space<hbm>>
        tpu.enqueue_dma source(%dma_start3A_160 : memref<1280xi32, #tpu.memory_space<hbm>>) target(%arg11 : memref<1280xi32, #tpu.memory_space<vmem>>) target_semaphore(%arg18 : memref<!tpu.dma_semaphore, #tpu.memory_space<semaphore_mem>>)
        %dma_start3A_161 = tpu.memref_slice %arg6[%multiple_of3A_156] : memref<800000xf32, #tpu.memory_space<hbm>> -> memref<1280xf32, #tpu.memory_space<hbm>>
        %dma_start3A_162 = tpu.memref_slice %arg6[%multiple_of3A_156] : memref<800000xf32, #tpu.memory_space<hbm>> -> memref<1280xf32, #tpu.memory_space<hbm>>
        tpu.enqueue_dma source(%dma_start3A_162 : memref<1280xf32, #tpu.memory_space<hbm>>) target(%arg12 : memref<1280xf32, #tpu.memory_space<vmem>>) target_semaphore(%arg18 : memref<!tpu.dma_semaphore, #tpu.memory_space<semaphore_mem>>)
        %dma_start3A_163 = arith.constant 0 : i32
        %dma_start3A_164 = tpu.memref_slice %arg3[%add3A, %dma_start3A_163, %multiple_of3A_156] : memref<32x1x800000xf32, #tpu.memory_space<hbm>> -> memref<1x1x1280xf32, #tpu.memory_space<hbm>>
        %dma_start3A_165 = tpu.memref_squeeze %dma_start3A_164 : memref<1x1x1280xf32, #tpu.memory_space<hbm>> -> memref<1280xf32, #tpu.memory_space<hbm>>
        %dma_start3A_166 = tpu.memref_slice %arg3[%add3A, %dma_start3A_163, %multiple_of3A_156] : memref<32x1x800000xf32, #tpu.memory_space<hbm>> -> memref<1x1x1280xf32, #tpu.memory_space<hbm>>
        %dma_start3A_167 = tpu.memref_squeeze %dma_start3A_166 : memref<1x1x1280xf32, #tpu.memory_space<hbm>> -> memref<1280xf32, #tpu.memory_space<hbm>>
        tpu.enqueue_dma source(%dma_start3A_167 : memref<1280xf32, #tpu.memory_space<hbm>>) target(%arg13 : memref<1280xf32, #tpu.memory_space<vmem>>) target_semaphore(%arg18 : memref<!tpu.dma_semaphore, #tpu.memory_space<semaphore_mem>>)
      } else {
      }
      %dma_wait3A_128 = arith.constant 0 : i32
      %dma_wait3A_129 = tpu.memref_slice %arg4[%dma_wait3A_128] : memref<800000xi32, #tpu.memory_space<hbm>> -> memref<1280xi32, #tpu.memory_space<hbm>>
      %dma_wait3A_130 = arith.constant 0 : i32
      %dma_wait3A_131 = tpu.memref_slice %arg4[%dma_wait3A_130] : memref<800000xi32, #tpu.memory_space<hbm>> -> memref<1280xi32, #tpu.memory_space<hbm>>
      tpu.wait_dma2 semaphore(%arg19 : memref<!tpu.dma_semaphore, #tpu.memory_space<semaphore_mem>>) src(%dma_wait3A_131 : memref<1280xi32, #tpu.memory_space<hbm>>) dst(%arg14 : memref<1280xi32, #tpu.memory_space<vmem>>)
      %dma_wait3A_132 = arith.constant 0 : i32
      %dma_wait3A_133 = tpu.memref_slice %arg5[%dma_wait3A_132] : memref<800000xi32, #tpu.memory_space<hbm>> -> memref<1280xi32, #tpu.memory_space<hbm>>
      %dma_wait3A_134 = arith.constant 0 : i32
      %dma_wait3A_135 = tpu.memref_slice %arg5[%dma_wait3A_134] : memref<800000xi32, #tpu.memory_space<hbm>> -> memref<1280xi32, #tpu.memory_space<hbm>>
      tpu.wait_dma2 semaphore(%arg19 : memref<!tpu.dma_semaphore, #tpu.memory_space<semaphore_mem>>) src(%dma_wait3A_135 : memref<1280xi32, #tpu.memory_space<hbm>>) dst(%arg15 : memref<1280xi32, #tpu.memory_space<vmem>>)
      %dma_wait3A_136 = arith.constant 0 : i32
      %dma_wait3A_137 = tpu.memref_slice %arg6[%dma_wait3A_136] : memref<800000xf32, #tpu.memory_space<hbm>> -> memref<1280xf32, #tpu.memory_space<hbm>>
      %dma_wait3A_138 = arith.constant 0 : i32
      %dma_wait3A_139 = tpu.memref_slice %arg6[%dma_wait3A_138] : memref<800000xf32, #tpu.memory_space<hbm>> -> memref<1280xf32, #tpu.memory_space<hbm>>
      tpu.wait_dma2 semaphore(%arg19 : memref<!tpu.dma_semaphore, #tpu.memory_space<semaphore_mem>>) src(%dma_wait3A_139 : memref<1280xf32, #tpu.memory_space<hbm>>) dst(%arg16 : memref<1280xf32, #tpu.memory_space<vmem>>)
      %dma_wait3A_140 = arith.constant 0 : i32
      %dma_wait3A_141 = arith.constant 0 : i32
      %dma_wait3A_142 = tpu.memref_slice %arg3[%add3A, %dma_wait3A_140, %dma_wait3A_141] : memref<32x1x800000xf32, #tpu.memory_space<hbm>> -> memref<1x1x1280xf32, #tpu.memory_space<hbm>>
      %dma_wait3A_143 = tpu.memref_squeeze %dma_wait3A_142 : memref<1x1x1280xf32, #tpu.memory_space<hbm>> -> memref<1280xf32, #tpu.memory_space<hbm>>
      %dma_wait3A_144 = arith.constant 0 : i32
      %dma_wait3A_145 = tpu.memref_slice %arg3[%add3A, %dma_wait3A_140, %dma_wait3A_144] : memref<32x1x800000xf32, #tpu.memory_space<hbm>> -> memref<1x1x1280xf32, #tpu.memory_space<hbm>>
      %dma_wait3A_146 = tpu.memref_squeeze %dma_wait3A_145 : memref<1x1x1280xf32, #tpu.memory_space<hbm>> -> memref<1280xf32, #tpu.memory_space<hbm>>
      tpu.wait_dma2 semaphore(%arg19 : memref<!tpu.dma_semaphore, #tpu.memory_space<semaphore_mem>>) src(%dma_wait3A_146 : memref<1280xf32, #tpu.memory_space<hbm>>) dst(%arg17 : memref<1280xf32, #tpu.memory_space<vmem>>)
      %parallel_loop3A_147 = arith.constant 0 : i32
      %parallel_loop3A_148 = arith.constant 80 : i32
      %parallel_loop3A_149 = arith.constant 1 : i32
      scf.for %parallel_loop3A_150 = %parallel_loop3A_147 to %parallel_loop3A_148 step %parallel_loop3A_149  : i32 {
        %parallel_loop3A_151 = arith.constant 16 : i32
        %parallel_loop3A_152 = arith.muli %parallel_loop3A_150, %parallel_loop3A_151 : i32
        %parallel_loop3A_153 = arith.index_cast %parallel_loop3A_152 : i32 to index
        %parallel_loop3A_154 = tpu.vector_load %arg14[%parallel_loop3A_153] {strides = array<i32>} : memref<1280xi32, #tpu.memory_space<vmem>>, vector<16xi32>,
        %parallel_loop3A_155 = tpu.vector_load_idx %arg8[%parallel_loop3A_154] : memref<50048xf32, #tpu.memory_space<vmem>>[vector<16xi32>], vector<16xf32>,
        %parallel_loop3A_156 = arith.index_cast %parallel_loop3A_152 : i32 to index
        %parallel_loop3A_157 = tpu.vector_load %arg16[%parallel_loop3A_156] {strides = array<i32>} : memref<1280xf32, #tpu.memory_space<vmem>>, vector<16xf32>,
        %parallel_loop3A_158 = arith.mulf %parallel_loop3A_155, %parallel_loop3A_157 : vector<16xf32>
        %parallel_loop3A_159 = arith.index_cast %parallel_loop3A_152 : i32 to index
        %parallel_loop3A_160 = tpu.vector_load %arg17[%parallel_loop3A_159] {strides = array<i32>} : memref<1280xf32, #tpu.memory_space<vmem>>, vector<16xf32>,
        %parallel_loop3A_161 = arith.addf %parallel_loop3A_158, %parallel_loop3A_160 : vector<16xf32>
        %parallel_loop3A_162 = arith.index_cast %parallel_loop3A_152 : i32 to index
        %parallel_loop3A_163 = tpu.vector_load %arg15[%parallel_loop3A_162] {strides = array<i32>} : memref<1280xi32, #tpu.memory_space<vmem>>, vector<16xi32>,
        tpu.vector_store_idx %arg9[%parallel_loop3A_163], %parallel_loop3A_161 {add = true} : memref<50176xf32, #tpu.memory_space<vmem>>[vector<16xi32>], vector<16xf32>,
      } {sc.loop_unroll_factor = 16 : i64, sc.parallel_access}
    }
    %scan3A_37 = arith.constant 312 : i32
    %multiple_of3A_38 = arith.constant 798720 : i32
    %multiple_of3A_39 = tpu.assume_multiple %multiple_of3A_38, 8 : i32
    %dma_start3A_40 = tpu.memref_slice %arg4[%multiple_of3A_39] : memref<800000xi32, #tpu.memory_space<hbm>> -> memref<1280xi32, #tpu.memory_space<hbm>>
    %dma_start3A_41 = tpu.memref_slice %arg4[%multiple_of3A_39] : memref<800000xi32, #tpu.memory_space<hbm>> -> memref<1280xi32, #tpu.memory_space<hbm>>
    tpu.enqueue_dma source(%dma_start3A_41 : memref<1280xi32, #tpu.memory_space<hbm>>) target(%arg10 : memref<1280xi32, #tpu.memory_space<vmem>>) target_semaphore(%arg18 : memref<!tpu.dma_semaphore, #tpu.memory_space<semaphore_mem>>)
    %dma_start3A_42 = tpu.memref_slice %arg5[%multiple_of3A_39] : memref<800000xi32, #tpu.memory_space<hbm>> -> memref<1280xi32, #tpu.memory_space<hbm>>
    %dma_start3A_43 = tpu.memref_slice %arg5[%multiple_of3A_39] : memref<800000xi32, #tpu.memory_space<hbm>> -> memref<1280xi32, #tpu.memory_space<hbm>>
    tpu.enqueue_dma source(%dma_start3A_43 : memref<1280xi32, #tpu.memory_space<hbm>>) target(%arg11 : memref<1280xi32, #tpu.memory_space<vmem>>) target_semaphore(%arg18 : memref<!tpu.dma_semaphore, #tpu.memory_space<semaphore_mem>>)
    %dma_start3A_44 = tpu.memref_slice %arg6[%multiple_of3A_39] : memref<800000xf32, #tpu.memory_space<hbm>> -> memref<1280xf32, #tpu.memory_space<hbm>>
    %dma_start3A_45 = tpu.memref_slice %arg6[%multiple_of3A_39] : memref<800000xf32, #tpu.memory_space<hbm>> -> memref<1280xf32, #tpu.memory_space<hbm>>
    tpu.enqueue_dma source(%dma_start3A_45 : memref<1280xf32, #tpu.memory_space<hbm>>) target(%arg12 : memref<1280xf32, #tpu.memory_space<vmem>>) target_semaphore(%arg18 : memref<!tpu.dma_semaphore, #tpu.memory_space<semaphore_mem>>)
    %dma_start3A_46 = arith.constant 0 : i32
    %dma_start3A_47 = tpu.memref_slice %arg3[%add3A, %dma_start3A_46, %multiple_of3A_39] : memref<32x1x800000xf32, #tpu.memory_space<hbm>> -> memref<1x1x1280xf32, #tpu.memory_space<hbm>>
    %dma_start3A_48 = tpu.memref_squeeze %dma_start3A_47 : memref<1x1x1280xf32, #tpu.memory_space<hbm>> -> memref<1280xf32, #tpu.memory_space<hbm>>
    %dma_start3A_49 = tpu.memref_slice %arg3[%add3A, %dma_start3A_46, %multiple_of3A_39] : memref<32x1x800000xf32, #tpu.memory_space<hbm>> -> memref<1x1x1280xf32, #tpu.memory_space<hbm>>
    %dma_start3A_50 = tpu.memref_squeeze %dma_start3A_49 : memref<1x1x1280xf32, #tpu.memory_space<hbm>> -> memref<1280xf32, #tpu.memory_space<hbm>>
    tpu.enqueue_dma source(%dma_start3A_50 : memref<1280xf32, #tpu.memory_space<hbm>>) target(%arg13 : memref<1280xf32, #tpu.memory_space<vmem>>) target_semaphore(%arg18 : memref<!tpu.dma_semaphore, #tpu.memory_space<semaphore_mem>>)
    %dma_wait3A = arith.constant 0 : i32
    %dma_wait3A_51 = tpu.memref_slice %arg4[%dma_wait3A] : memref<800000xi32, #tpu.memory_space<hbm>> -> memref<1280xi32, #tpu.memory_space<hbm>>
    %dma_wait3A_52 = arith.constant 0 : i32
    %dma_wait3A_53 = tpu.memref_slice %arg4[%dma_wait3A_52] : memref<800000xi32, #tpu.memory_space<hbm>> -> memref<1280xi32, #tpu.memory_space<hbm>>
    tpu.wait_dma2 semaphore(%arg18 : memref<!tpu.dma_semaphore, #tpu.memory_space<semaphore_mem>>) src(%dma_wait3A_53 : memref<1280xi32, #tpu.memory_space<hbm>>) dst(%arg10 : memref<1280xi32, #tpu.memory_space<vmem>>)
    %dma_wait3A_54 = arith.constant 0 : i32
    %dma_wait3A_55 = tpu.memref_slice %arg5[%dma_wait3A_54] : memref<800000xi32, #tpu.memory_space<hbm>> -> memref<1280xi32, #tpu.memory_space<hbm>>
    %dma_wait3A_56 = arith.constant 0 : i32
    %dma_wait3A_57 = tpu.memref_slice %arg5[%dma_wait3A_56] : memref<800000xi32, #tpu.memory_space<hbm>> -> memref<1280xi32, #tpu.memory_space<hbm>>
    tpu.wait_dma2 semaphore(%arg18 : memref<!tpu.dma_semaphore, #tpu.memory_space<semaphore_mem>>) src(%dma_wait3A_57 : memref<1280xi32, #tpu.memory_space<hbm>>) dst(%arg11 : memref<1280xi32, #tpu.memory_space<vmem>>)
    %dma_wait3A_58 = arith.constant 0 : i32
    %dma_wait3A_59 = tpu.memref_slice %arg6[%dma_wait3A_58] : memref<800000xf32, #tpu.memory_space<hbm>> -> memref<1280xf32, #tpu.memory_space<hbm>>
    %dma_wait3A_60 = arith.constant 0 : i32
    %dma_wait3A_61 = tpu.memref_slice %arg6[%dma_wait3A_60] : memref<800000xf32, #tpu.memory_space<hbm>> -> memref<1280xf32, #tpu.memory_space<hbm>>
    tpu.wait_dma2 semaphore(%arg18 : memref<!tpu.dma_semaphore, #tpu.memory_space<semaphore_mem>>) src(%dma_wait3A_61 : memref<1280xf32, #tpu.memory_space<hbm>>) dst(%arg12 : memref<1280xf32, #tpu.memory_space<vmem>>)
    %dma_wait3A_62 = arith.constant 0 : i32
    %dma_wait3A_63 = arith.constant 0 : i32
    %dma_wait3A_64 = tpu.memref_slice %arg3[%add3A, %dma_wait3A_62, %dma_wait3A_63] : memref<32x1x800000xf32, #tpu.memory_space<hbm>> -> memref<1x1x1280xf32, #tpu.memory_space<hbm>>
    %dma_wait3A_65 = tpu.memref_squeeze %dma_wait3A_64 : memref<1x1x1280xf32, #tpu.memory_space<hbm>> -> memref<1280xf32, #tpu.memory_space<hbm>>
    %dma_wait3A_66 = arith.constant 0 : i32
    %dma_wait3A_67 = tpu.memref_slice %arg3[%add3A, %dma_wait3A_62, %dma_wait3A_66] : memref<32x1x800000xf32, #tpu.memory_space<hbm>> -> memref<1x1x1280xf32, #tpu.memory_space<hbm>>
    %dma_wait3A_68 = tpu.memref_squeeze %dma_wait3A_67 : memref<1x1x1280xf32, #tpu.memory_space<hbm>> -> memref<1280xf32, #tpu.memory_space<hbm>>
    tpu.wait_dma2 semaphore(%arg18 : memref<!tpu.dma_semaphore, #tpu.memory_space<semaphore_mem>>) src(%dma_wait3A_68 : memref<1280xf32, #tpu.memory_space<hbm>>) dst(%arg13 : memref<1280xf32, #tpu.memory_space<vmem>>)
    %parallel_loop3A = arith.constant 0 : i32
    %parallel_loop3A_69 = arith.constant 80 : i32
    %parallel_loop3A_70 = arith.constant 1 : i32
    scf.for %parallel_loop3A_79 = %parallel_loop3A to %parallel_loop3A_69 step %parallel_loop3A_70  : i32 {
      %parallel_loop3A_80 = arith.constant 16 : i32
      %parallel_loop3A_81 = arith.muli %parallel_loop3A_79, %parallel_loop3A_80 : i32
      %parallel_loop3A_82 = arith.index_cast %parallel_loop3A_81 : i32 to index
      %parallel_loop3A_83 = tpu.vector_load %arg10[%parallel_loop3A_82] {strides = array<i32>} : memref<1280xi32, #tpu.memory_space<vmem>>, vector<16xi32>,
      %parallel_loop3A_84 = tpu.vector_load_idx %arg8[%parallel_loop3A_83] : memref<50048xf32, #tpu.memory_space<vmem>>[vector<16xi32>], vector<16xf32>,
      %parallel_loop3A_85 = arith.index_cast %parallel_loop3A_81 : i32 to index
      %parallel_loop3A_86 = tpu.vector_load %arg12[%parallel_loop3A_85] {strides = array<i32>} : memref<1280xf32, #tpu.memory_space<vmem>>, vector<16xf32>,
      %parallel_loop3A_87 = arith.mulf %parallel_loop3A_84, %parallel_loop3A_86 : vector<16xf32>
      %parallel_loop3A_88 = arith.index_cast %parallel_loop3A_81 : i32 to index
      %parallel_loop3A_89 = tpu.vector_load %arg13[%parallel_loop3A_88] {strides = array<i32>} : memref<1280xf32, #tpu.memory_space<vmem>>, vector<16xf32>,
      %parallel_loop3A_90 = arith.addf %parallel_loop3A_87, %parallel_loop3A_89 : vector<16xf32>
      %parallel_loop3A_91 = arith.index_cast %parallel_loop3A_81 : i32 to index
      %parallel_loop3A_92 = tpu.vector_load %arg11[%parallel_loop3A_91] {strides = array<i32>} : memref<1280xi32, #tpu.memory_space<vmem>>, vector<16xi32>,
      tpu.vector_store_idx %arg9[%parallel_loop3A_92], %parallel_loop3A_90 {add = true} : memref<50176xf32, #tpu.memory_space<vmem>>[vector<16xi32>], vector<16xf32>,
    } {sc.loop_unroll_factor = 16 : i64, sc.parallel_access}
    %run_scoped3A_71 = arith.constant 0 : i32
    "tpu.region"() ({
      %run_scoped3A_79 = tpu.sem_alloc : memref<!tpu.dma_semaphore, #tpu.memory_space<semaphore_mem>>
      %dma_start3A_80 = arith.constant 0 : i32
      %dma_start3A_81 = tpu.memref_slice %arg9[%dma_start3A_80] : memref<50176xf32, #tpu.memory_space<vmem>> -> memref<6272xf32, #tpu.memory_space<vmem>>
      %dma_start3A_82 = arith.constant 0 : i32
      %dma_start3A_83 = tpu.memref_slice %arg7[%add3A, %run_scoped3A_71, %dma_start3A_82] : memref<32x1x50176xf32, #tpu.memory_space<hbm>> -> memref<1x1x6272xf32, #tpu.memory_space<hbm>>
      %dma_start3A_84 = tpu.memref_squeeze %dma_start3A_83 : memref<1x1x6272xf32, #tpu.memory_space<hbm>> -> memref<6272xf32, #tpu.memory_space<hbm>>
      %dma_start3A_85 = arith.constant 0 : i32
      %dma_start3A_86 = tpu.memref_slice %arg7[%add3A, %run_scoped3A_71, %dma_start3A_85] : memref<32x1x50176xf32, #tpu.memory_space<hbm>> -> memref<1x1x6272xf32, #tpu.memory_space<hbm>>
      %dma_start3A_87 = tpu.memref_squeeze %dma_start3A_86 : memref<1x1x6272xf32, #tpu.memory_space<hbm>> -> memref<6272xf32, #tpu.memory_space<hbm>>
      %dma_start3A_88 = arith.constant 0 : i32
      %dma_start3A_89 = tpu.memref_slice %arg9[%dma_start3A_88] : memref<50176xf32, #tpu.memory_space<vmem>> -> memref<6272xf32, #tpu.memory_space<vmem>>
      tpu.enqueue_dma source(%dma_start3A_89 : memref<6272xf32, #tpu.memory_space<vmem>>) target(%dma_start3A_87 : memref<6272xf32, #tpu.memory_space<hbm>>) target_semaphore(%run_scoped3A_79 : memref<!tpu.dma_semaphore, #tpu.memory_space<semaphore_mem>>)
      %dma_wait3A_90 = arith.constant 0 : i32
      %dma_wait3A_91 = tpu.memref_slice %arg9[%dma_wait3A_90] : memref<50176xf32, #tpu.memory_space<vmem>> -> memref<6272xf32, #tpu.memory_space<vmem>>
      %dma_wait3A_92 = arith.constant 0 : i32
      %dma_wait3A_93 = tpu.memref_slice %arg7[%add3A, %run_scoped3A_71, %dma_wait3A_92] : memref<32x1x50176xf32, #tpu.memory_space<hbm>> -> memref<1x1x6272xf32, #tpu.memory_space<hbm>>
      %dma_wait3A_94 = tpu.memref_squeeze %dma_wait3A_93 : memref<1x1x6272xf32, #tpu.memory_space<hbm>> -> memref<6272xf32, #tpu.memory_space<hbm>>
      %dma_wait3A_95 = arith.constant 0 : i32
      %dma_wait3A_96 = tpu.memref_slice %arg7[%add3A, %run_scoped3A_71, %dma_wait3A_95] : memref<32x1x50176xf32, #tpu.memory_space<hbm>> -> memref<1x1x6272xf32, #tpu.memory_space<hbm>>
      %dma_wait3A_97 = tpu.memref_squeeze %dma_wait3A_96 : memref<1x1x6272xf32, #tpu.memory_space<hbm>> -> memref<6272xf32, #tpu.memory_space<hbm>>
      %dma_wait3A_98 = arith.constant 0 : i32
      %dma_wait3A_99 = tpu.memref_slice %arg9[%dma_wait3A_98] : memref<50176xf32, #tpu.memory_space<vmem>> -> memref<6272xf32, #tpu.memory_space<vmem>>
      tpu.wait_dma2 semaphore(%run_scoped3A_79 : memref<!tpu.dma_semaphore, #tpu.memory_space<semaphore_mem>>) src(%dma_wait3A_99 : memref<6272xf32, #tpu.memory_space<vmem>>) dst(%dma_wait3A_97 : memref<6272xf32, #tpu.memory_space<hbm>>)
      tpu.yield
    }) : () -> ()
    %run_scoped3A_72 = arith.constant 0 : i32
    "tpu.region"() ({
      %run_scoped3A_79 = tpu.sem_alloc : memref<!tpu.dma_semaphore, #tpu.memory_space<semaphore_mem>>
      %dma_start3A_80 = arith.constant 6272 : i32
      %dma_start3A_81 = tpu.memref_slice %arg9[%dma_start3A_80] : memref<50176xf32, #tpu.memory_space<vmem>> -> memref<6272xf32, #tpu.memory_space<vmem>>
      %dma_start3A_82 = arith.constant 6272 : i32
      %dma_start3A_83 = tpu.memref_slice %arg7[%add3A, %run_scoped3A_72, %dma_start3A_82] : memref<32x1x50176xf32, #tpu.memory_space<hbm>> -> memref<1x1x6272xf32, #tpu.memory_space<hbm>>
      %dma_start3A_84 = tpu.memref_squeeze %dma_start3A_83 : memref<1x1x6272xf32, #tpu.memory_space<hbm>> -> memref<6272xf32, #tpu.memory_space<hbm>>
      %dma_start3A_85 = arith.constant 6272 : i32
      %dma_start3A_86 = tpu.memref_slice %arg7[%add3A, %run_scoped3A_72, %dma_start3A_85] : memref<32x1x50176xf32, #tpu.memory_space<hbm>> -> memref<1x1x6272xf32, #tpu.memory_space<hbm>>
      %dma_start3A_87 = tpu.memref_squeeze %dma_start3A_86 : memref<1x1x6272xf32, #tpu.memory_space<hbm>> -> memref<6272xf32, #tpu.memory_space<hbm>>
      %dma_start3A_88 = arith.constant 6272 : i32
      %dma_start3A_89 = tpu.memref_slice %arg9[%dma_start3A_88] : memref<50176xf32, #tpu.memory_space<vmem>> -> memref<6272xf32, #tpu.memory_space<vmem>>
      tpu.enqueue_dma source(%dma_start3A_89 : memref<6272xf32, #tpu.memory_space<vmem>>) target(%dma_start3A_87 : memref<6272xf32, #tpu.memory_space<hbm>>) target_semaphore(%run_scoped3A_79 : memref<!tpu.dma_semaphore, #tpu.memory_space<semaphore_mem>>)
      %dma_wait3A_90 = arith.constant 6272 : i32
      %dma_wait3A_91 = tpu.memref_slice %arg9[%dma_wait3A_90] : memref<50176xf32, #tpu.memory_space<vmem>> -> memref<6272xf32, #tpu.memory_space<vmem>>
      %dma_wait3A_92 = arith.constant 6272 : i32
      %dma_wait3A_93 = tpu.memref_slice %arg7[%add3A, %run_scoped3A_72, %dma_wait3A_92] : memref<32x1x50176xf32, #tpu.memory_space<hbm>> -> memref<1x1x6272xf32, #tpu.memory_space<hbm>>
      %dma_wait3A_94 = tpu.memref_squeeze %dma_wait3A_93 : memref<1x1x6272xf32, #tpu.memory_space<hbm>> -> memref<6272xf32, #tpu.memory_space<hbm>>
      %dma_wait3A_95 = arith.constant 6272 : i32
      %dma_wait3A_96 = tpu.memref_slice %arg7[%add3A, %run_scoped3A_72, %dma_wait3A_95] : memref<32x1x50176xf32, #tpu.memory_space<hbm>> -> memref<1x1x6272xf32, #tpu.memory_space<hbm>>
      %dma_wait3A_97 = tpu.memref_squeeze %dma_wait3A_96 : memref<1x1x6272xf32, #tpu.memory_space<hbm>> -> memref<6272xf32, #tpu.memory_space<hbm>>
      %dma_wait3A_98 = arith.constant 6272 : i32
      %dma_wait3A_99 = tpu.memref_slice %arg9[%dma_wait3A_98] : memref<50176xf32, #tpu.memory_space<vmem>> -> memref<6272xf32, #tpu.memory_space<vmem>>
      tpu.wait_dma2 semaphore(%run_scoped3A_79 : memref<!tpu.dma_semaphore, #tpu.memory_space<semaphore_mem>>) src(%dma_wait3A_99 : memref<6272xf32, #tpu.memory_space<vmem>>) dst(%dma_wait3A_97 : memref<6272xf32, #tpu.memory_space<hbm>>)
      tpu.yield
    }) : () -> ()
    %run_scoped3A_73 = arith.constant 0 : i32
    "tpu.region"() ({
      %run_scoped3A_79 = tpu.sem_alloc : memref<!tpu.dma_semaphore, #tpu.memory_space<semaphore_mem>>
      %dma_start3A_80 = arith.constant 12544 : i32
      %dma_start3A_81 = tpu.memref_slice %arg9[%dma_start3A_80] : memref<50176xf32, #tpu.memory_space<vmem>> -> memref<6272xf32, #tpu.memory_space<vmem>>
      %dma_start3A_82 = arith.constant 12544 : i32
      %dma_start3A_83 = tpu.memref_slice %arg7[%add3A, %run_scoped3A_73, %dma_start3A_82] : memref<32x1x50176xf32, #tpu.memory_space<hbm>> -> memref<1x1x6272xf32, #tpu.memory_space<hbm>>
      %dma_start3A_84 = tpu.memref_squeeze %dma_start3A_83 : memref<1x1x6272xf32, #tpu.memory_space<hbm>> -> memref<6272xf32, #tpu.memory_space<hbm>>
      %dma_start3A_85 = arith.constant 12544 : i32
      %dma_start3A_86 = tpu.memref_slice %arg7[%add3A, %run_scoped3A_73, %dma_start3A_85] : memref<32x1x50176xf32, #tpu.memory_space<hbm>> -> memref<1x1x6272xf32, #tpu.memory_space<hbm>>
      %dma_start3A_87 = tpu.memref_squeeze %dma_start3A_86 : memref<1x1x6272xf32, #tpu.memory_space<hbm>> -> memref<6272xf32, #tpu.memory_space<hbm>>
      %dma_start3A_88 = arith.constant 12544 : i32
      %dma_start3A_89 = tpu.memref_slice %arg9[%dma_start3A_88] : memref<50176xf32, #tpu.memory_space<vmem>> -> memref<6272xf32, #tpu.memory_space<vmem>>
      tpu.enqueue_dma source(%dma_start3A_89 : memref<6272xf32, #tpu.memory_space<vmem>>) target(%dma_start3A_87 : memref<6272xf32, #tpu.memory_space<hbm>>) target_semaphore(%run_scoped3A_79 : memref<!tpu.dma_semaphore, #tpu.memory_space<semaphore_mem>>)
      %dma_wait3A_90 = arith.constant 12544 : i32
      %dma_wait3A_91 = tpu.memref_slice %arg9[%dma_wait3A_90] : memref<50176xf32, #tpu.memory_space<vmem>> -> memref<6272xf32, #tpu.memory_space<vmem>>
      %dma_wait3A_92 = arith.constant 12544 : i32
      %dma_wait3A_93 = tpu.memref_slice %arg7[%add3A, %run_scoped3A_73, %dma_wait3A_92] : memref<32x1x50176xf32, #tpu.memory_space<hbm>> -> memref<1x1x6272xf32, #tpu.memory_space<hbm>>
      %dma_wait3A_94 = tpu.memref_squeeze %dma_wait3A_93 : memref<1x1x6272xf32, #tpu.memory_space<hbm>> -> memref<6272xf32, #tpu.memory_space<hbm>>
      %dma_wait3A_95 = arith.constant 12544 : i32
      %dma_wait3A_96 = tpu.memref_slice %arg7[%add3A, %run_scoped3A_73, %dma_wait3A_95] : memref<32x1x50176xf32, #tpu.memory_space<hbm>> -> memref<1x1x6272xf32, #tpu.memory_space<hbm>>
      %dma_wait3A_97 = tpu.memref_squeeze %dma_wait3A_96 : memref<1x1x6272xf32, #tpu.memory_space<hbm>> -> memref<6272xf32, #tpu.memory_space<hbm>>
      %dma_wait3A_98 = arith.constant 12544 : i32
      %dma_wait3A_99 = tpu.memref_slice %arg9[%dma_wait3A_98] : memref<50176xf32, #tpu.memory_space<vmem>> -> memref<6272xf32, #tpu.memory_space<vmem>>
      tpu.wait_dma2 semaphore(%run_scoped3A_79 : memref<!tpu.dma_semaphore, #tpu.memory_space<semaphore_mem>>) src(%dma_wait3A_99 : memref<6272xf32, #tpu.memory_space<vmem>>) dst(%dma_wait3A_97 : memref<6272xf32, #tpu.memory_space<hbm>>)
      tpu.yield
    }) : () -> ()
    %run_scoped3A_74 = arith.constant 0 : i32
    "tpu.region"() ({
      %run_scoped3A_79 = tpu.sem_alloc : memref<!tpu.dma_semaphore, #tpu.memory_space<semaphore_mem>>
      %dma_start3A_80 = arith.constant 18816 : i32
      %dma_start3A_81 = tpu.memref_slice %arg9[%dma_start3A_80] : memref<50176xf32, #tpu.memory_space<vmem>> -> memref<6272xf32, #tpu.memory_space<vmem>>
      %dma_start3A_82 = arith.constant 18816 : i32
      %dma_start3A_83 = tpu.memref_slice %arg7[%add3A, %run_scoped3A_74, %dma_start3A_82] : memref<32x1x50176xf32, #tpu.memory_space<hbm>> -> memref<1x1x6272xf32, #tpu.memory_space<hbm>>
      %dma_start3A_84 = tpu.memref_squeeze %dma_start3A_83 : memref<1x1x6272xf32, #tpu.memory_space<hbm>> -> memref<6272xf32, #tpu.memory_space<hbm>>
      %dma_start3A_85 = arith.constant 18816 : i32
      %dma_start3A_86 = tpu.memref_slice %arg7[%add3A, %run_scoped3A_74, %dma_start3A_85] : memref<32x1x50176xf32, #tpu.memory_space<hbm>> -> memref<1x1x6272xf32, #tpu.memory_space<hbm>>
      %dma_start3A_87 = tpu.memref_squeeze %dma_start3A_86 : memref<1x1x6272xf32, #tpu.memory_space<hbm>> -> memref<6272xf32, #tpu.memory_space<hbm>>
      %dma_start3A_88 = arith.constant 18816 : i32
      %dma_start3A_89 = tpu.memref_slice %arg9[%dma_start3A_88] : memref<50176xf32, #tpu.memory_space<vmem>> -> memref<6272xf32, #tpu.memory_space<vmem>>
      tpu.enqueue_dma source(%dma_start3A_89 : memref<6272xf32, #tpu.memory_space<vmem>>) target(%dma_start3A_87 : memref<6272xf32, #tpu.memory_space<hbm>>) target_semaphore(%run_scoped3A_79 : memref<!tpu.dma_semaphore, #tpu.memory_space<semaphore_mem>>)
      %dma_wait3A_90 = arith.constant 18816 : i32
      %dma_wait3A_91 = tpu.memref_slice %arg9[%dma_wait3A_90] : memref<50176xf32, #tpu.memory_space<vmem>> -> memref<6272xf32, #tpu.memory_space<vmem>>
      %dma_wait3A_92 = arith.constant 18816 : i32
      %dma_wait3A_93 = tpu.memref_slice %arg7[%add3A, %run_scoped3A_74, %dma_wait3A_92] : memref<32x1x50176xf32, #tpu.memory_space<hbm>> -> memref<1x1x6272xf32, #tpu.memory_space<hbm>>
      %dma_wait3A_94 = tpu.memref_squeeze %dma_wait3A_93 : memref<1x1x6272xf32, #tpu.memory_space<hbm>> -> memref<6272xf32, #tpu.memory_space<hbm>>
      %dma_wait3A_95 = arith.constant 18816 : i32
      %dma_wait3A_96 = tpu.memref_slice %arg7[%add3A, %run_scoped3A_74, %dma_wait3A_95] : memref<32x1x50176xf32, #tpu.memory_space<hbm>> -> memref<1x1x6272xf32, #tpu.memory_space<hbm>>
      %dma_wait3A_97 = tpu.memref_squeeze %dma_wait3A_96 : memref<1x1x6272xf32, #tpu.memory_space<hbm>> -> memref<6272xf32, #tpu.memory_space<hbm>>
      %dma_wait3A_98 = arith.constant 18816 : i32
      %dma_wait3A_99 = tpu.memref_slice %arg9[%dma_wait3A_98] : memref<50176xf32, #tpu.memory_space<vmem>> -> memref<6272xf32, #tpu.memory_space<vmem>>
      tpu.wait_dma2 semaphore(%run_scoped3A_79 : memref<!tpu.dma_semaphore, #tpu.memory_space<semaphore_mem>>) src(%dma_wait3A_99 : memref<6272xf32, #tpu.memory_space<vmem>>) dst(%dma_wait3A_97 : memref<6272xf32, #tpu.memory_space<hbm>>)
      tpu.yield
    }) : () -> ()
    %run_scoped3A_75 = arith.constant 0 : i32
    "tpu.region"() ({
      %run_scoped3A_79 = tpu.sem_alloc : memref<!tpu.dma_semaphore, #tpu.memory_space<semaphore_mem>>
      %dma_start3A_80 = arith.constant 25088 : i32
      %dma_start3A_81 = tpu.memref_slice %arg9[%dma_start3A_80] : memref<50176xf32, #tpu.memory_space<vmem>> -> memref<6272xf32, #tpu.memory_space<vmem>>
      %dma_start3A_82 = arith.constant 25088 : i32
      %dma_start3A_83 = tpu.memref_slice %arg7[%add3A, %run_scoped3A_75, %dma_start3A_82] : memref<32x1x50176xf32, #tpu.memory_space<hbm>> -> memref<1x1x6272xf32, #tpu.memory_space<hbm>>
      %dma_start3A_84 = tpu.memref_squeeze %dma_start3A_83 : memref<1x1x6272xf32, #tpu.memory_space<hbm>> -> memref<6272xf32, #tpu.memory_space<hbm>>
      %dma_start3A_85 = arith.constant 25088 : i32
      %dma_start3A_86 = tpu.memref_slice %arg7[%add3A, %run_scoped3A_75, %dma_start3A_85] : memref<32x1x50176xf32, #tpu.memory_space<hbm>> -> memref<1x1x6272xf32, #tpu.memory_space<hbm>>
      %dma_start3A_87 = tpu.memref_squeeze %dma_start3A_86 : memref<1x1x6272xf32, #tpu.memory_space<hbm>> -> memref<6272xf32, #tpu.memory_space<hbm>>
      %dma_start3A_88 = arith.constant 25088 : i32
      %dma_start3A_89 = tpu.memref_slice %arg9[%dma_start3A_88] : memref<50176xf32, #tpu.memory_space<vmem>> -> memref<6272xf32, #tpu.memory_space<vmem>>
      tpu.enqueue_dma source(%dma_start3A_89 : memref<6272xf32, #tpu.memory_space<vmem>>) target(%dma_start3A_87 : memref<6272xf32, #tpu.memory_space<hbm>>) target_semaphore(%run_scoped3A_79 : memref<!tpu.dma_semaphore, #tpu.memory_space<semaphore_mem>>)
      %dma_wait3A_90 = arith.constant 25088 : i32
      %dma_wait3A_91 = tpu.memref_slice %arg9[%dma_wait3A_90] : memref<50176xf32, #tpu.memory_space<vmem>> -> memref<6272xf32, #tpu.memory_space<vmem>>
      %dma_wait3A_92 = arith.constant 25088 : i32
      %dma_wait3A_93 = tpu.memref_slice %arg7[%add3A, %run_scoped3A_75, %dma_wait3A_92] : memref<32x1x50176xf32, #tpu.memory_space<hbm>> -> memref<1x1x6272xf32, #tpu.memory_space<hbm>>
      %dma_wait3A_94 = tpu.memref_squeeze %dma_wait3A_93 : memref<1x1x6272xf32, #tpu.memory_space<hbm>> -> memref<6272xf32, #tpu.memory_space<hbm>>
      %dma_wait3A_95 = arith.constant 25088 : i32
      %dma_wait3A_96 = tpu.memref_slice %arg7[%add3A, %run_scoped3A_75, %dma_wait3A_95] : memref<32x1x50176xf32, #tpu.memory_space<hbm>> -> memref<1x1x6272xf32, #tpu.memory_space<hbm>>
      %dma_wait3A_97 = tpu.memref_squeeze %dma_wait3A_96 : memref<1x1x6272xf32, #tpu.memory_space<hbm>> -> memref<6272xf32, #tpu.memory_space<hbm>>
      %dma_wait3A_98 = arith.constant 25088 : i32
      %dma_wait3A_99 = tpu.memref_slice %arg9[%dma_wait3A_98] : memref<50176xf32, #tpu.memory_space<vmem>> -> memref<6272xf32, #tpu.memory_space<vmem>>
      tpu.wait_dma2 semaphore(%run_scoped3A_79 : memref<!tpu.dma_semaphore, #tpu.memory_space<semaphore_mem>>) src(%dma_wait3A_99 : memref<6272xf32, #tpu.memory_space<vmem>>) dst(%dma_wait3A_97 : memref<6272xf32, #tpu.memory_space<hbm>>)
      tpu.yield
    }) : () -> ()
    %run_scoped3A_76 = arith.constant 0 : i32
    "tpu.region"() ({
      %run_scoped3A_79 = tpu.sem_alloc : memref<!tpu.dma_semaphore, #tpu.memory_space<semaphore_mem>>
      %dma_start3A_80 = arith.constant 31360 : i32
      %dma_start3A_81 = tpu.memref_slice %arg9[%dma_start3A_80] : memref<50176xf32, #tpu.memory_space<vmem>> -> memref<6272xf32, #tpu.memory_space<vmem>>
      %dma_start3A_82 = arith.constant 31360 : i32
      %dma_start3A_83 = tpu.memref_slice %arg7[%add3A, %run_scoped3A_76, %dma_start3A_82] : memref<32x1x50176xf32, #tpu.memory_space<hbm>> -> memref<1x1x6272xf32, #tpu.memory_space<hbm>>
      %dma_start3A_84 = tpu.memref_squeeze %dma_start3A_83 : memref<1x1x6272xf32, #tpu.memory_space<hbm>> -> memref<6272xf32, #tpu.memory_space<hbm>>
      %dma_start3A_85 = arith.constant 31360 : i32
      %dma_start3A_86 = tpu.memref_slice %arg7[%add3A, %run_scoped3A_76, %dma_start3A_85] : memref<32x1x50176xf32, #tpu.memory_space<hbm>> -> memref<1x1x6272xf32, #tpu.memory_space<hbm>>
      %dma_start3A_87 = tpu.memref_squeeze %dma_start3A_86 : memref<1x1x6272xf32, #tpu.memory_space<hbm>> -> memref<6272xf32, #tpu.memory_space<hbm>>
      %dma_start3A_88 = arith.constant 31360 : i32
      %dma_start3A_89 = tpu.memref_slice %arg9[%dma_start3A_88] : memref<50176xf32, #tpu.memory_space<vmem>> -> memref<6272xf32, #tpu.memory_space<vmem>>
      tpu.enqueue_dma source(%dma_start3A_89 : memref<6272xf32, #tpu.memory_space<vmem>>) target(%dma_start3A_87 : memref<6272xf32, #tpu.memory_space<hbm>>) target_semaphore(%run_scoped3A_79 : memref<!tpu.dma_semaphore, #tpu.memory_space<semaphore_mem>>)
      %dma_wait3A_90 = arith.constant 31360 : i32
      %dma_wait3A_91 = tpu.memref_slice %arg9[%dma_wait3A_90] : memref<50176xf32, #tpu.memory_space<vmem>> -> memref<6272xf32, #tpu.memory_space<vmem>>
      %dma_wait3A_92 = arith.constant 31360 : i32
      %dma_wait3A_93 = tpu.memref_slice %arg7[%add3A, %run_scoped3A_76, %dma_wait3A_92] : memref<32x1x50176xf32, #tpu.memory_space<hbm>> -> memref<1x1x6272xf32, #tpu.memory_space<hbm>>
      %dma_wait3A_94 = tpu.memref_squeeze %dma_wait3A_93 : memref<1x1x6272xf32, #tpu.memory_space<hbm>> -> memref<6272xf32, #tpu.memory_space<hbm>>
      %dma_wait3A_95 = arith.constant 31360 : i32
      %dma_wait3A_96 = tpu.memref_slice %arg7[%add3A, %run_scoped3A_76, %dma_wait3A_95] : memref<32x1x50176xf32, #tpu.memory_space<hbm>> -> memref<1x1x6272xf32, #tpu.memory_space<hbm>>
      %dma_wait3A_97 = tpu.memref_squeeze %dma_wait3A_96 : memref<1x1x6272xf32, #tpu.memory_space<hbm>> -> memref<6272xf32, #tpu.memory_space<hbm>>
      %dma_wait3A_98 = arith.constant 31360 : i32
      %dma_wait3A_99 = tpu.memref_slice %arg9[%dma_wait3A_98] : memref<50176xf32, #tpu.memory_space<vmem>> -> memref<6272xf32, #tpu.memory_space<vmem>>
      tpu.wait_dma2 semaphore(%run_scoped3A_79 : memref<!tpu.dma_semaphore, #tpu.memory_space<semaphore_mem>>) src(%dma_wait3A_99 : memref<6272xf32, #tpu.memory_space<vmem>>) dst(%dma_wait3A_97 : memref<6272xf32, #tpu.memory_space<hbm>>)
      tpu.yield
    }) : () -> ()
    %run_scoped3A_77 = arith.constant 0 : i32
    "tpu.region"() ({
      %run_scoped3A_79 = tpu.sem_alloc : memref<!tpu.dma_semaphore, #tpu.memory_space<semaphore_mem>>
      %dma_start3A_80 = arith.constant 37632 : i32
      %dma_start3A_81 = tpu.memref_slice %arg9[%dma_start3A_80] : memref<50176xf32, #tpu.memory_space<vmem>> -> memref<6272xf32, #tpu.memory_space<vmem>>
      %dma_start3A_82 = arith.constant 37632 : i32
      %dma_start3A_83 = tpu.memref_slice %arg7[%add3A, %run_scoped3A_77, %dma_start3A_82] : memref<32x1x50176xf32, #tpu.memory_space<hbm>> -> memref<1x1x6272xf32, #tpu.memory_space<hbm>>
      %dma_start3A_84 = tpu.memref_squeeze %dma_start3A_83 : memref<1x1x6272xf32, #tpu.memory_space<hbm>> -> memref<6272xf32, #tpu.memory_space<hbm>>
      %dma_start3A_85 = arith.constant 37632 : i32
      %dma_start3A_86 = tpu.memref_slice %arg7[%add3A, %run_scoped3A_77, %dma_start3A_85] : memref<32x1x50176xf32, #tpu.memory_space<hbm>> -> memref<1x1x6272xf32, #tpu.memory_space<hbm>>
      %dma_start3A_87 = tpu.memref_squeeze %dma_start3A_86 : memref<1x1x6272xf32, #tpu.memory_space<hbm>> -> memref<6272xf32, #tpu.memory_space<hbm>>
      %dma_start3A_88 = arith.constant 37632 : i32
      %dma_start3A_89 = tpu.memref_slice %arg9[%dma_start3A_88] : memref<50176xf32, #tpu.memory_space<vmem>> -> memref<6272xf32, #tpu.memory_space<vmem>>
      tpu.enqueue_dma source(%dma_start3A_89 : memref<6272xf32, #tpu.memory_space<vmem>>) target(%dma_start3A_87 : memref<6272xf32, #tpu.memory_space<hbm>>) target_semaphore(%run_scoped3A_79 : memref<!tpu.dma_semaphore, #tpu.memory_space<semaphore_mem>>)
      %dma_wait3A_90 = arith.constant 37632 : i32
      %dma_wait3A_91 = tpu.memref_slice %arg9[%dma_wait3A_90] : memref<50176xf32, #tpu.memory_space<vmem>> -> memref<6272xf32, #tpu.memory_space<vmem>>
      %dma_wait3A_92 = arith.constant 37632 : i32
      %dma_wait3A_93 = tpu.memref_slice %arg7[%add3A, %run_scoped3A_77, %dma_wait3A_92] : memref<32x1x50176xf32, #tpu.memory_space<hbm>> -> memref<1x1x6272xf32, #tpu.memory_space<hbm>>
      %dma_wait3A_94 = tpu.memref_squeeze %dma_wait3A_93 : memref<1x1x6272xf32, #tpu.memory_space<hbm>> -> memref<6272xf32, #tpu.memory_space<hbm>>
      %dma_wait3A_95 = arith.constant 37632 : i32
      %dma_wait3A_96 = tpu.memref_slice %arg7[%add3A, %run_scoped3A_77, %dma_wait3A_95] : memref<32x1x50176xf32, #tpu.memory_space<hbm>> -> memref<1x1x6272xf32, #tpu.memory_space<hbm>>
      %dma_wait3A_97 = tpu.memref_squeeze %dma_wait3A_96 : memref<1x1x6272xf32, #tpu.memory_space<hbm>> -> memref<6272xf32, #tpu.memory_space<hbm>>
      %dma_wait3A_98 = arith.constant 37632 : i32
      %dma_wait3A_99 = tpu.memref_slice %arg9[%dma_wait3A_98] : memref<50176xf32, #tpu.memory_space<vmem>> -> memref<6272xf32, #tpu.memory_space<vmem>>
      tpu.wait_dma2 semaphore(%run_scoped3A_79 : memref<!tpu.dma_semaphore, #tpu.memory_space<semaphore_mem>>) src(%dma_wait3A_99 : memref<6272xf32, #tpu.memory_space<vmem>>) dst(%dma_wait3A_97 : memref<6272xf32, #tpu.memory_space<hbm>>)
      tpu.yield
    }) : () -> ()
    %run_scoped3A_78 = arith.constant 0 : i32
    "tpu.region"() ({
      %run_scoped3A_79 = tpu.sem_alloc : memref<!tpu.dma_semaphore, #tpu.memory_space<semaphore_mem>>
      %dma_start3A_80 = arith.constant 43904 : i32
      %dma_start3A_81 = tpu.memref_slice %arg9[%dma_start3A_80] : memref<50176xf32, #tpu.memory_space<vmem>> -> memref<6272xf32, #tpu.memory_space<vmem>>
      %dma_start3A_82 = arith.constant 43904 : i32
      %dma_start3A_83 = tpu.memref_slice %arg7[%add3A, %run_scoped3A_78, %dma_start3A_82] : memref<32x1x50176xf32, #tpu.memory_space<hbm>> -> memref<1x1x6272xf32, #tpu.memory_space<hbm>>
      %dma_start3A_84 = tpu.memref_squeeze %dma_start3A_83 : memref<1x1x6272xf32, #tpu.memory_space<hbm>> -> memref<6272xf32, #tpu.memory_space<hbm>>
      %dma_start3A_85 = arith.constant 43904 : i32
      %dma_start3A_86 = tpu.memref_slice %arg7[%add3A, %run_scoped3A_78, %dma_start3A_85] : memref<32x1x50176xf32, #tpu.memory_space<hbm>> -> memref<1x1x6272xf32, #tpu.memory_space<hbm>>
      %dma_start3A_87 = tpu.memref_squeeze %dma_start3A_86 : memref<1x1x6272xf32, #tpu.memory_space<hbm>> -> memref<6272xf32, #tpu.memory_space<hbm>>
      %dma_start3A_88 = arith.constant 43904 : i32
      %dma_start3A_89 = tpu.memref_slice %arg9[%dma_start3A_88] : memref<50176xf32, #tpu.memory_space<vmem>> -> memref<6272xf32, #tpu.memory_space<vmem>>
      tpu.enqueue_dma source(%dma_start3A_89 : memref<6272xf32, #tpu.memory_space<vmem>>) target(%dma_start3A_87 : memref<6272xf32, #tpu.memory_space<hbm>>) target_semaphore(%run_scoped3A_79 : memref<!tpu.dma_semaphore, #tpu.memory_space<semaphore_mem>>)
      %dma_wait3A_90 = arith.constant 43904 : i32
      %dma_wait3A_91 = tpu.memref_slice %arg9[%dma_wait3A_90] : memref<50176xf32, #tpu.memory_space<vmem>> -> memref<6272xf32, #tpu.memory_space<vmem>>
      %dma_wait3A_92 = arith.constant 43904 : i32
      %dma_wait3A_93 = tpu.memref_slice %arg7[%add3A, %run_scoped3A_78, %dma_wait3A_92] : memref<32x1x50176xf32, #tpu.memory_space<hbm>> -> memref<1x1x6272xf32, #tpu.memory_space<hbm>>
      %dma_wait3A_94 = tpu.memref_squeeze %dma_wait3A_93 : memref<1x1x6272xf32, #tpu.memory_space<hbm>> -> memref<6272xf32, #tpu.memory_space<hbm>>
      %dma_wait3A_95 = arith.constant 43904 : i32
      %dma_wait3A_96 = tpu.memref_slice %arg7[%add3A, %run_scoped3A_78, %dma_wait3A_95] : memref<32x1x50176xf32, #tpu.memory_space<hbm>> -> memref<1x1x6272xf32, #tpu.memory_space<hbm>>
      %dma_wait3A_97 = tpu.memref_squeeze %dma_wait3A_96 : memref<1x1x6272xf32, #tpu.memory_space<hbm>> -> memref<6272xf32, #tpu.memory_space<hbm>>
      %dma_wait3A_98 = arith.constant 43904 : i32
      %dma_wait3A_99 = tpu.memref_slice %arg9[%dma_wait3A_98] : memref<50176xf32, #tpu.memory_space<vmem>> -> memref<6272xf32, #tpu.memory_space<vmem>>
      tpu.wait_dma2 semaphore(%run_scoped3A_79 : memref<!tpu.dma_semaphore, #tpu.memory_space<semaphore_mem>>) src(%dma_wait3A_99 : memref<6272xf32, #tpu.memory_space<vmem>>) dst(%dma_wait3A_97 : memref<6272xf32, #tpu.memory_space<hbm>>)
      tpu.yield
    }) : () -> ()
    return
  }
}

module attributes {stable_mosaic.version = 14 : i64} {
  func.func @body(%arg0: i32, %arg1: memref<32x64xf32, #tpu.memory_space<vmem>>, %arg2: memref<6400x64xf32, #tpu.memory_space<vmem>>, %arg3: memref<1x6400xf32, #tpu.memory_space<vmem>>, %arg4: memref<32x6400xf32, #tpu.memory_space<vmem>>) attributes {dimension_semantics = [#tpu.dimension_semantics<arbitrary>], iteration_bounds = array<i64: 125>, scalar_prefetch = 0 : i64, scratch_operands = 0 : i64, tpu.core_type = #tpu.core_type<tc>, window_params = [{pipeline_mode = #tpu.pipeline_mode<synchronous>, transform_indices = @transform_0, window_bounds = array<i64: 32, 64>}, {transform_indices = @transform_1, window_bounds = array<i64: 6400, 64>}, {transform_indices = @transform_2, window_bounds = array<i64: 1, 6400>}, {transform_indices = @transform_3, window_bounds = array<i64: 32, 6400>}]} {
    %get3A = arith.constant 0 : index
    %get3A_0 = arith.constant 0 : index
    %get3A_1 = vector.load %arg1[%get3A, %get3A_0] : memref<32x64xf32, #tpu.memory_space<vmem>>, vector<32x64xf32>
    %get3A_2 = arith.constant 0 : index
    %get3A_3 = arith.constant 0 : index
    %get3A_4 = vector.load %arg2[%get3A_2, %get3A_3] : memref<6400x64xf32, #tpu.memory_space<vmem>>, vector<6400x64xf32>
    %dot_general3A = arith.constant dense<0.000000e+00> : vector<32x6400xf32>
    %dot_general3A_5 = tpu.matmul %get3A_1, %get3A_4, %dot_general3A {dimension_numbers = #tpu.dot_dimension_numbers<[1], [1], [0], [0], [0, 0, 1, 0], [], []>, transpose_lhs_hint = false} : vector<32x64xf32>, vector<6400x64xf32>, vector<32x6400xf32> -> vector<32x6400xf32>
    %get3A_6 = arith.constant 0 : index
    %get3A_7 = arith.constant 0 : index
    %get3A_8 = vector.load %arg3[%get3A_6, %get3A_7] : memref<1x6400xf32, #tpu.memory_space<vmem>>, vector<1x6400xf32>
    %mul3A = vector.broadcast %get3A_8 : vector<1x6400xf32> to vector<32x6400xf32>
    %mul3A_9 = arith.mulf %dot_general3A_5, %mul3A : vector<32x6400xf32>
    %swap3A = arith.constant 0 : index
    %swap3A_10 = arith.constant 0 : index
    %swap3A_11 = vector.load %arg4[%swap3A, %swap3A_10] : memref<32x6400xf32, #tpu.memory_space<vmem>>, vector<32x6400xf32>
    tpu.vector_store %arg4[%swap3A, %swap3A_10], %mul3A_9 {strides = array<i32>} : memref<32x6400xf32, #tpu.memory_space<vmem>>, vector<32x6400xf32>,
    return
  }
  func.func @transform_0(%arg0: i32) -> (i32, i32) {
    %c0_i32 = arith.constant 0 : i32
    %c0_i32_0 = arith.constant 0 : i32
    %c0_i32_1 = arith.constant 0 : i32
    return %c0_i32, %c0_i32_0 : i32, i32
  }
  func.func @transform_1(%arg0: i32) -> (i32, i32) {
    %c0_i32 = arith.constant 0 : i32
    %c0_i32_0 = arith.constant 0 : i32
    return %arg0, %c0_i32 : i32, i32
  }
  func.func @transform_2(%arg0: i32) -> (i32, i32) {
    %c0_i32 = arith.constant 0 : i32
    %c0_i32_0 = arith.constant 0 : i32
    return %c0_i32, %arg0 : i32, i32
  }
  func.func @transform_3(%arg0: i32) -> (i32, i32) {
    %c0_i32 = arith.constant 0 : i32
    %c0_i32_0 = arith.constant 0 : i32
    return %c0_i32, %arg0 : i32, i32
  }
}

module attributes {stable_mosaic.version = 14 : i64} {
  func.func @body(%arg0: memref<32x32xf32, #tpu.memory_space<vmem>>, %arg1: memref<50048x32xf32, #tpu.memory_space<vmem>>, %arg2: memref<32x50048xf32, #tpu.memory_space<vmem>>) attributes {dimension_semantics = [], scalar_prefetch = 0 : i64, scratch_operands = 0 : i64, tpu.core_type = #tpu.core_type<tc>} {
    %get3A = arith.constant 0 : index
    %get3A_0 = arith.constant 0 : index
    %get3A_1 = vector.load %arg0[%get3A, %get3A_0] : memref<32x32xf32, #tpu.memory_space<vmem>>, vector<32x32xf32>
    %get3A_2 = arith.constant 0 : index
    %get3A_3 = arith.constant 0 : index
    %get3A_4 = vector.load %arg1[%get3A_2, %get3A_3] : memref<50048x32xf32, #tpu.memory_space<vmem>>, vector<50048x32xf32>
    %dot_general3A = arith.constant dense<0.000000e+00> : vector<32x50048xf32>
    %dot_general3A_5 = tpu.matmul %get3A_1, %get3A_4, %dot_general3A {dimension_numbers = #tpu.dot_dimension_numbers<[1], [1], [0], [0], [0, 0, 1, 0], [], []>, transpose_lhs_hint = false} : vector<32x32xf32>, vector<50048x32xf32>, vector<32x50048xf32> -> vector<32x50048xf32>
    %swap3A = arith.constant 0 : index
    %swap3A_6 = arith.constant 0 : index
    %swap3A_7 = vector.load %arg2[%swap3A, %swap3A_6] : memref<32x50048xf32, #tpu.memory_space<vmem>>, vector<32x50048xf32>
    tpu.vector_store %arg2[%swap3A, %swap3A_6], %dot_general3A_5 {strides = array<i32>} : memref<32x50048xf32, #tpu.memory_space<vmem>>, vector<32x50048xf32>,
    return
  }
}

module attributes {stable_mosaic.version = 14 : i64} {
  func.func @body(%arg0: memref<32x50000xf32, #tpu.memory_space<vmem>>, %arg1: memref<50000x32xf32, #tpu.memory_space<vmem>>) attributes {dimension_semantics = [], scalar_prefetch = 0 : i64, scratch_operands = 0 : i64, tpu.core_type = #tpu.core_type<tc>} {
    %get3A = arith.constant 0 : index
    %get3A_0 = arith.constant 0 : index
    %get3A_1 = vector.load %arg0[%get3A, %get3A_0] : memref<32x50000xf32, #tpu.memory_space<vmem>>, vector<32x50000xf32>
    %transpose3A = tpu.transpose %get3A_1, [1, 0] : vector<32x50000xf32> -> vector<50000x32xf32>
    %swap3A = arith.constant 0 : index
    %swap3A_2 = arith.constant 0 : index
    %swap3A_3 = vector.load %arg1[%swap3A, %swap3A_2] : memref<50000x32xf32, #tpu.memory_space<vmem>>, vector<50000x32xf32>
    tpu.vector_store %arg1[%swap3A, %swap3A_2], %transpose3A {strides = array<i32>} : memref<50000x32xf32, #tpu.memory_space<vmem>>, vector<50000x32xf32>,
    return
  }
}

</mosaic_0001>

<sc_bundles>
// kernel: kernel.6.cloned.1.call-start
scs
__scs_entry_jumppad:
0x0: {  	(pc) =	sbr.rel $0x88, $3  }
0x1: {  	(tag) =	ssettag $0x0;
	lr =	simm.s32 $0x1  }
0x2: {  	[smem:$0x3F9B] =	sst lr;
	_ =	strace $0xD0000000  }
0x3: {  	_ = 	snop  }
0x4: {  	_ = 	snop  }
0x5: {  	_ = 	snop  }
0x6: {  	_ = 	snop  }
0x7: {  	_ = 	snop  }
__scs_overlays_trampoline_lowered:
0x8: {  	[smem:$0x3FAA] =	sst s0  }
0x9: {  	[smem:$0x3FAB] =	sst s1  }
0xa: {  	[smem:$0x3FAC] =	sst s2  }
0xb: {  	[smem:$0x3FAD] =	sst s3  }
0xc: {  	[smem:$0x3FAE] =	sst s4  }
0xd: {  	[smem:$0x3FAF] =	sst s5  }
0xe: {  	[smem:$0x3FB0] =	sst s6  }
0xf: {  	[smem:$0x3FB1] =	sst s7  }
0x10: {  	[smem:$0x3FB2] =	sst s8  }
0x11: {  	[smem:$0x3FB3] =	sst s9;
	s0 =	simm.s32 @!p0 $0x0  }
0x12: {  	s1 =	sld [smem:$0x3F99];
	s0 =	simm.s32 @p0 $0x1  }
0x13: {  	[smem:$0x3FB4] =	sst s0;
	s0 =	simm.s32 @!p1 $0x0  }
0x14: {  	s2 =	sld [smem:$0x3F98];
	s0 =	simm.s32 @p1 $0x1  }
0x15: {  	[smem:$0x3FB5] =	sst s0;
	s0 =	simm.s32 @!p2 $0x0  }
0x16: {  	s3 =	sld [smem:$0x3FDB];
	s0 =	simm.s32 @p2 $0x1  }
0x17: {  	s4 =	simm.s32 $0x1BF5;
	[smem:$0x3FB7] =	sst s0  }
0x18: {  	s0 =	sld [smem:$0x3F9A];
	_ =	swait.ge [sflag:s4], $0x0  }
0x19: {  	s7 =	sld [smem:$0x3F9B]  }
0x1a: {  	s8 =	sadd.s32 $0xFFFFE003, lr  }
0x1b: {  	s9 =	sadd.s32 $0xFFFFFEF7, lr;
	s5 =	simm.s32 $0xFFFFFFFF;
	p2 =	slt.u32 s8, $0xFFFFF086  }
0x1c: {  	p1 =	slt.u32 s9, $0xF7A;
	s5 =	simm.s32 @!p2 $0x0  }
0x1d: {  	s5 =	simm.s32 @p1 $0x1;
	p0 =	seq.s32 s7, s2  }
0x1e: {  	s7 =	smul.u32 @!p0 $0xF7A, s2;
	p2 =	seq.s32 @!p0 s5, $0x0  }
0x1f: {  	s9 =	smul.u32 $0xF7A, s1;
	s8 =	simm.s32 @!p0 $0x1BF5;
	p2 =	por !p2, p0  }
0x20: {  	[sflag:s8] =	ssyncset.s32 @!p0 $0xFFFFF086;
	s6 =	sadd.s32 @!p0 s3, s7;
	s7 =	simm.s32 @!p0 $0x108  }
0x21: {  	s3 =	sadd.s32 s3, s9;
	s6 =	sadd.s32 @!p0 $0x88, s6;
	s7 =	simm.s32 @p2 $0x1082  }
0x22: {  	[simem:s7], [sflag:s8] =	dma.local @!p0 [hbm:s6], $0xF7A  }
0x23: {  	s9 =	sor.u32 $0xD0000000, s2;
	s6 =	simm.s32 $0x108;
	_ =	swait.ge @!p0 [sflag:s8], $0x0  }
0x24: {  	s3 =	sadd.s32 $0x88, s3;
	s6 =	simm.s32 @!p1 $0x1082;
	[sflag:s4] =	ssyncset.s32 $0xFFFFF086  }
0x25: {  	[simem:s6], [sflag:s4] =	dma.local [hbm:s3], $0xF7A  }
0x26: {  	[smem:$0x3F9B] =	sst s1;
	(tag) =	ssettag s2;
	_ =	strace s9  }
0x27: {  	s1 =	sld [smem:$0x3FAB]  }
0x28: {  	s2 =	sld [smem:$0x3FAC]  }
0x29: {  	s4 =	sld [smem:$0x3FAE]  }
0x2a: {  	p0 =	seq.s32 s5, $0x0;
	s5 =	sld [smem:$0x3FAF]  }
0x2b: {  	s6 =	sld [smem:$0x3FB0]  }
0x2c: {  	s7 =	sld [smem:$0x3FB1]  }
0x2d: {  	s3 =	simm.s32 $0x108;
	s8 =	sld [smem:$0x3FB2]  }
0x2e: {  	s3 =	simm.s32 @!p0 $0x1082;
	s9 =	sld [smem:$0x3FB3]  }
0x2f: {  	lr =	sadd.s32 s0, s3;
	s0 =	sld [smem:$0x3FAA]  }
0x30: {  	s3 =	sld [smem:$0x3FAD]  }
0x31: {  	[smem:$0x3FB6] =	sst s10  }
0x32: {  	s10 =	sld [smem:$0x3FB4];
	_ =	sdelay $0x3  }
0x33: {  	p0 =	seq.s32 s10, $0x1;
	s10 =	sld [smem:$0x3FB6];
	_ =	sdelay $0x3  }
0x34: {  	[smem:$0x3FB6] =	sst s10  }
0x35: {  	s10 =	sld [smem:$0x3FB5];
	_ =	sdelay $0x3  }
0x36: {  	p1 =	seq.s32 s10, $0x1;
	s10 =	sld [smem:$0x3FB6];
	_ =	sdelay $0x3  }
0x37: {  	[smem:$0x3FB6] =	sst s10  }
0x38: {  	s10 =	sld [smem:$0x3FB7]  }
0x39: {  	_ = 	snop;
	(pc) =	sbr.ind lr, $3  }
0x3a: {  	_ = 	snop  }
0x3b: {  	_ = 	snop  }
0x3c: {  	p2 =	seq.s32 s10, $0x1;
	s10 =	sld [smem:$0x3FB6]  }
0x3d: {  	_ =	shalt  }
0x3e: {  	_ =	shalt  }
0x3f: {  	_ =	shalt  }
0x40: {  	_ =	shalt  }
0x41: {  	_ =	shalt  }
0x42: {  	_ =	shalt  }
0x43: {  	_ =	shalt  }
0x44: {  	_ =	shalt  }
0x45: {  	_ =	shalt  }
0x46: {  	_ =	shalt  }
0x47: {  	_ =	shalt  }
0x48: {  	_ =	shalt  }
0x49: {  	_ =	shalt  }
0x4a: {  	_ =	shalt  }
0x4b: {  	_ =	shalt  }
0x4c: {  	_ =	shalt  }
0x4d: {  	_ =	shalt  }
0x4e: {  	_ =	shalt  }
0x4f: {  	_ =	shalt  }
0x50: {  	_ =	shalt  }
0x51: {  	_ =	shalt  }
0x52: {  	_ =	shalt  }
0x53: {  	_ =	shalt  }
0x54: {  	_ =	shalt  }
0x55: {  	_ =	shalt  }
0x56: {  	_ =	shalt  }
0x57: {  	_ =	shalt  }
0x58: {  	_ =	shalt  }
0x59: {  	_ =	shalt  }
0x5a: {  	_ =	shalt  }
0x5b: {  	_ =	shalt  }
0x5c: {  	_ =	shalt  }
0x5d: {  	_ =	shalt  }
0x5e: {  	_ =	shalt  }
0x5f: {  	_ =	shalt  }
0x60: {  	_ =	shalt  }
0x61: {  	_ =	shalt  }
0x62: {  	_ =	shalt  }
0x63: {  	_ =	shalt  }
0x64: {  	_ =	shalt  }
0x65: {  	_ =	shalt  }
0x66: {  	_ =	shalt  }
0x67: {  	_ =	shalt  }
0x68: {  	_ =	shalt  }
0x69: {  	_ =	shalt  }
0x6a: {  	_ =	shalt  }
0x6b: {  	_ =	shalt  }
0x6c: {  	_ =	shalt  }
0x6d: {  	_ =	shalt  }
0x6e: {  	_ =	shalt  }
0x6f: {  	_ =	shalt  }
0x70: {  	_ =	shalt  }
0x71: {  	_ =	shalt  }
0x72: {  	_ =	shalt  }
0x73: {  	_ =	shalt  }
0x74: {  	_ =	shalt  }
0x75: {  	_ =	shalt  }
0x76: {  	_ =	shalt  }
0x77: {  	_ =	shalt  }
0x78: {  	_ =	shalt  }
0x79: {  	_ =	shalt  }
0x7a: {  	_ =	shalt  }
0x7b: {  	_ =	shalt  }
0x7c: {  	_ =	shalt  }
0x7d: {  	_ =	shalt  }
0x7e: {  	_ =	shalt  }
0x7f: {  	_ =	shalt  }
0x80: {  	_ =	shalt  }
0x81: {  	_ =	shalt  }
0x82: {  	_ =	shalt  }
0x83: {  	_ =	shalt  }
0x84: {  	_ =	shalt  }
0x85: {  	_ =	shalt  }
0x86: {  	_ =	shalt  }
0x87: {  	_ =	shalt  }
.Lfunc_end0:
.L_simem_size_0:
called_computation_lowered:
.L_overlay_start_0:
0x88: {  	s2 =	sld [smem:$0x3FD9]  }
0x89: {  	s3 =	sld [smem:$0x3FFE];
	_ =	sdelay $0x1  }
0x8a: {  	s1 =	srdreg.scid  }
0x8b: {  	s0 =	sand.u32 $0x1, s1  }
0x8c: {  	s17 =	sshll.u32 s0, $0xA;
	s2 =	sadd.s32 s3, s2  }
0x8d: {  	s2 =	sadd.s32 s2, s17  }
0x8e: {  	[smem:$0x3FC2] =	sst s2  }
0x8f: {  	_ = 	snop  }
0x90: {  	s2 =	sld [smem:$0x3FD0];
	(tm) =	ssettm $0x1  }
0x91: {  	s18 =	sld [smem:$0x3FFB];
	_ =	sdelay $0x3  }
0x92: {  	_ =	strace s18  }
0x93: {  	s3 =	sld [smem:$0x3FFC];
	_ =	sdelay $0x3  }
0x94: {  	_ =	strace s3  }
0x95: {  	s3 =	sld [smem:$0x3FFD];
	_ =	sdelay $0x3  }
0x96: {  	_ =	strace s3  }
0x97: {  	_ =	strace $0x8FFFFFFF  }
0x98: {  	s19 =	sld [smem:$0x3FDB];
	_ =	sdelay $0x1  }
0x99: {  	s4 =	simm.s32 $_scs_section_size  }
0x9a: {  	s5 =	simm.s32 $_size__tile_overlayer_lowered;
	s6 =	simm.s32 $_tile_overlayer_lowered  }
0x9b: {  	s22 =	simm.s32 $0x1BFF;
	s21 =	sshll.u32 s6, $0x1;
	s3 =	sadd.s32 s4, s19  }
0x9c: {  	s7 =	simm.s32 $0x0;
	s20 =	sshll.u32 s5, $0x1;
	s5 =	sadd.s32 s21, s3  }
0x9d: {  	[timem:s7], [sflag:s22] =	dma.local [hbm:s5], s20  }
0x9e: {  	_ =	swait.ge [sflag:s22], s20  }
0x9f: {  	s4 =	ssub.s32 $0x0, s20;
	[sflag:s22] =	ssyncset.done $0x0  }
0xa0: {  	[sflag:s22] =	ssyncadd.s32 s4;
	_ =	sdelay $0x1  }
0xa1: {  	s23 =	simm.s32 $0x1B8B  }
0xa2: {  	_ =	swait.ge [sflag:s23], $0x1  }
0xa3: {  	[sflag:s23] =	ssyncset.done $0x0  }
0xa4: {  	s25 =	simm.s32 $0x1B8E;
	s24 =	sld [smem:$0x3FFE];
	[sflag:s23] =	ssyncadd.s32 $0xFFFFFFFF  }
0xa5: {  	s26 =	simm.s32 $execute0_lowered;
	[smem:$0x3FD2] =	sst s25  }
0xa6: {  	s5 =	sshll.u32 s26, $0x1;
	_ =	strace $0x80000046;
	[dreg:$0x1] =	wrdreg $0xFFFFFFFF  }
0xa7: {  	s28 =	simm.s32 $_size_execute0_lowered;
	s3 =	sadd.s32 s3, s5;
	[dreg:$0x0] =	wrdreg $0x0  }
0xa8: {  	s5 =	sshll.u32 s28, $0x1;
	[dreg:$0x2] =	wrdreg s3  }
0xa9: {  	[dreg:$0x3] =	wrdreg s5  }
0xaa: {  	[dreg:$0x4] =	wrdreg $0xC0  }
0xab: {  	_ =	task [dreg:s7], $0x5FFFF  }
0xac: {  	[dreg:$0x1] =	wrdreg $0xFFFFFFFF  }
0xad: {  	[dreg:$0x0] =	wrdreg $0x60  }
0xae: {  	[dreg:$0x2] =	wrdreg s2  }
0xaf: {  	[dreg:$0x3] =	wrdreg s24  }
0xb0: {  	[dreg:$0x4] =	wrdreg $0x9  }
0xb1: {  	_ =	task.clear_ibuf [dreg:s7], $0x5FFFF;
	_ =	strace $0x90000046  }
0xb2: {  	s29 =	simm.s32 $0x9;
	_ =	strace $0x80000048  }
0xb3: {  	_ =	swait.ge [sflag:s29], $0x1  }
0xb4: {  	[sflag:s29] =	ssyncadd.s32 $0xFFFFFFFF  }
0xb5: {  	_ =	strace $0x90000048  }
0xb6: {  	_ =	sfence  }
0xb7: {  	s30 =	sld [smem:$0x0];
	_ =	sdelay $0x2  }
0xb8: {  	s31 =	sshll.u32 s1, $0xD;
	s1 =	sshrl.u32 s1, $0x2  }
0xb9: {  	s3 =	sand.u32 $0x4000, s31;
	s1 =	sadd.s32 s1, s30  }
0xba: {  	s0 =	sor.u32 s3, s0;
	s1 =	sshll.u32 s1, $0x11  }
0xbb: {  	s0 =	sor.u32 s1, s0  }
0xbc: {  	s0 =	sadd.s32 $0x8F2B, s0  }
0xbd: {  	[sflag:s0] =	ssyncadd.remote.s32 $0x1  }
0xbe: {  	_ =	sfence.sel $0xFFFF  }
0xbf: {  	[dreg:$0x0] =	wrdreg $0xFFFFFFFF;
	(pc) =	sbr.abs _section_cstart, $3  }
0xc0: {  	[dreg:$0x1] =	wrdreg $0xFFFFFFFF  }
0xc1: {  	_ =	task.clear_ibuf [dreg:s7], $0x2FFFF;
	_ =	strace $0x9FFFFFFF  }
0xc2: {  	(tm) =	ssettm $0x7FFFFFFF  }
0xc3: {  	_ =	shalt  }
tec
execute0_lowered:
.L_overlay_start_1:
0x0: {  	(tag) =	ssettag $0x1  }
0x1: {  	s1 =	srdreg.scid;
	s3 =	stileid.u32  }
0x2: {  	s1 =	sand.u32 $0x1, s1;
	s4 =	sshll.u32 s3, $0x1  }
0x3: {  	s8 =	sor.u32 s1, s4  }
0x4: {  	s7 =	smul.u32 $0xC400, s8  }
0x5: {  	s9 =	smul.u32 $0xC380, s8  }
0x6: {  	s0 =	rddreg [dreg:$0x0]  }
0x7: {  	s2 =	rddreg [dreg:$0x1];
	s7 =	sshrl.u32 s7, $0x3;
	s9 =	sshrl.u32 s9, $0x3  }
0x8: {  	s3 =	simm.s32 $0x0;
	s10 =	sadd.s32 s7, s2;
	s7 =	sadd.s32 s0, s9  }
0x9: {  	[smem:$0x7FF] =	sst s3;
	s0 =	sadd.s32 $0x170, s7  }
0xa: {  	_ =	strace $0x80000047;
	s21 =	sadd.s32 $0x2E0, s7;
	[dreg:$0x3] =	wrdreg s0  }
0xb: {  	s22 =	sadd.s32 $0x450, s7;
	[dreg:$0x4] =	wrdreg s21  }
0xc: {  	s23 =	sadd.s32 $0x5C0, s7;
	[dreg:$0x5] =	wrdreg s22  }
0xd: {  	s24 =	sadd.s32 $0x730, s7;
	[dreg:$0x6] =	wrdreg s23  }
0xe: {  	s25 =	sadd.s32 $0x8A0, s7;
	[dreg:$0x7] =	wrdreg s24  }
0xf: {  	s26 =	sadd.s32 $0xA10, s7;
	[dreg:$0x8] =	wrdreg s25  }
0x10: {  	s30 =	sadd.s32 $0x356C00, s10;
	[dreg:$0x9] =	wrdreg s26  }
0x11: {  	s15 =	smul.u32 $0xC3500, s8;
	s8 =	sadd.s32 $0x356F10, s10;
	[dreg:$0xa] =	wrdreg s30  }
0x12: {  	s9 =	sadd.s32 $0x357220, s10;
	[dreg:$0xb] =	wrdreg s8  }
0x13: {  	s28 =	simm.s32 $0x2;
	s12 =	sadd.s32 $0x357530, s10;
	[dreg:$0xc] =	wrdreg s9  }
0x14: {  	s29 =	simm.s32 $0x0;
	s13 =	sadd.s32 $0x357840, s10;
	[dreg:$0xd] =	wrdreg s12  }
0x15: {  	s5 =	sadd.s32 $0x18800, s2;
	s14 =	sadd.s32 $0x357B50, s10;
	[dreg:$0xe] =	wrdreg s13  }
0x16: {  	s6 =	sadd.s32 $0x33E400, s2;
	s16 =	sadd.s32 $0x357E60, s10;
	[dreg:$0xf] =	wrdreg s14  }
0x17: {  	s4 =	sadd.s32 $0x31000, s2;
	s17 =	sadd.s32 $0x358170, s10;
	[dreg:$0x10] =	wrdreg s16  }
0x18: {  	s1 =	ssub.s32 $0x2, s1;
	s18 =	sadd.s32 $0xB80, s7;
	[dreg:$0x11] =	wrdreg s17  }
0x19: {  	s11 =	sshrl.u32 s1, $0x1;
	s19 =	sadd.s32 $0xCF0, s7;
	[dreg:$0x13] =	wrdreg s18  }
0x1a: {  	s31 =	ssub.s32 s1, s11;
	s20 =	sadd.s32 $0xE60, s7;
	[dreg:$0x14] =	wrdreg s19  }
0x1b: {  	s11 =	sshrl.u32 s15, $0x3;
	s0 =	smax.u32 s31, $0x1;
	[dreg:$0x15] =	wrdreg s20  }
0x1c: {  	s21 =	sadd.s32 s4, s11;
	s22 =	sadd.s32 $0xFD0, s7;
	[dreg:$0x12] =	wrdreg s0  }
0x1d: {  	s23 =	sadd.s32 $0x1140, s7;
	s24 =	sadd.s32 $0x12B0, s7;
	[dreg:$0x16] =	wrdreg s22  }
0x1e: {  	s25 =	sadd.s32 $0x1420, s7;
	s26 =	sadd.s32 $0x1590, s7;
	[dreg:$0x17] =	wrdreg s23  }
0x1f: {  	s30 =	sadd.s32 $0x1700, s7;
	s31 =	sadd.s32 $0x30E00, s2;
	[dreg:$0x18] =	wrdreg s24  }
0x20: {  	s11 =	sadd.s32 $0x18600, s2;
	s12 =	sadd.s32 $0x356A00, s2;
	[dreg:$0x19] =	wrdreg s25  }
0x21: {  	s14 =	simm.s32 $0x3;
	s16 =	simm.s32 $0x18780;
	[dreg:$0x1a] =	wrdreg s26  }
0x22: {  	s17 =	simm.s32 $0x18C80;
	s18 =	simm.s32 $0x19180;
	[dreg:$0x1b] =	wrdreg s30  }
0x23: {  	s19 =	simm.s32 $0x19680;
	s20 =	simm.s32 $0x19B80;
	[dreg:$0x1c] =	wrdreg s31  }
0x24: {  	s13 =	sadd.s32 $0x18600, s21;
	s22 =	simm.s32 $0x1A080;
	s23 =	simm.s32 $0x1A580  }
0x25: {  	v0 =	vimm.f32 $0.0e+00;
	s24 =	simm.s32 $0x1AA80;
	s25 =	simm.s32 $0x1;
	s26 =	simm.s32 $0xC380  }
.LBB2_1:
0x26: {  	[tilespmem:s3], [sflag:$0x3] =	stream.linear.gather [hbm4b:s7+s3], $0xB80, $0x38;
	[tilespmem:$0x1AF80] =	vst v63  }
0x27: {  	_ =	swait.ge [sflag:s14], $0xB80  }
0x28: {  	[sflag:s14] =	ssyncset.done $0x0  }
0x29: {  	s1 =	simm.s32 $0xB80;
	s0 =	rddreg [dreg:$0x3];
	[sflag:s14] =	ssyncadd.s32 $0xFFFFF480  }
0x2a: {  	[tilespmem:s1], [sflag:$0x3] =	stream.linear.gather [hbm4b:s0+s3], $0xB80, $0x38;
	[tilespmem:$0x1AF80] =	vst v63  }
0x2b: {  	_ =	swait.ge [sflag:s14], $0xB80  }
0x2c: {  	[sflag:s14] =	ssyncset.done $0x0  }
0x2d: {  	s8 =	simm.s32 $0x1700;
	s1 =	rddreg [dreg:$0x4];
	[sflag:s14] =	ssyncadd.s32 $0xFFFFF480  }
0x2e: {  	[tilespmem:s8], [sflag:$0x3] =	stream.linear.gather [hbm4b:s1+s3], $0xB80, $0x38;
	[tilespmem:$0x1AF80] =	vst v63  }
0x2f: {  	_ =	swait.ge [sflag:s14], $0xB80  }
0x30: {  	[sflag:s14] =	ssyncset.done $0x0  }
0x31: {  	s10 =	simm.s32 $0x2280;
	s9 =	rddreg [dreg:$0x5];
	[sflag:s14] =	ssyncadd.s32 $0xFFFFF480  }
0x32: {  	[tilespmem:s10], [sflag:$0x3] =	stream.linear.gather [hbm4b:s9+s3], $0xB80, $0x38;
	[tilespmem:$0x1AF80] =	vst v63  }
0x33: {  	_ =	swait.ge [sflag:s14], $0xB80  }
0x34: {  	[sflag:s14] =	ssyncset.done $0x0  }
0x35: {  	s31 =	simm.s32 $0x2E00;
	s30 =	rddreg [dreg:$0x6];
	[sflag:s14] =	ssyncadd.s32 $0xFFFFF480  }
0x36: {  	[tilespmem:s31], [sflag:$0x3] =	stream.linear.gather [hbm4b:s30+s3], $0xB80, $0x38;
	[tilespmem:$0x1AF80] =	vst v63  }
0x37: {  	_ =	swait.ge [sflag:s14], $0xB80  }
0x38: {  	[sflag:s14] =	ssyncset.done $0x0  }
0x39: {  	s8 =	simm.s32 $0x3980;
	s1 =	rddreg [dreg:$0x7];
	[sflag:s14] =	ssyncadd.s32 $0xFFFFF480  }
0x3a: {  	[tilespmem:s8], [sflag:$0x3] =	stream.linear.gather [hbm4b:s1+s3], $0xB80, $0x38;
	[tilespmem:$0x1AF80] =	vst v63  }
0x3b: {  	_ =	swait.ge [sflag:s14], $0xB80  }
0x3c: {  	[sflag:s14] =	ssyncset.done $0x0  }
0x3d: {  	s10 =	simm.s32 $0x4500;
	s9 =	rddreg [dreg:$0x8];
	[sflag:s14] =	ssyncadd.s32 $0xFFFFF480  }
0x3e: {  	[tilespmem:s10], [sflag:$0x3] =	stream.linear.gather [hbm4b:s9+s3], $0xB80, $0x38;
	[tilespmem:$0x1AF80] =	vst v63  }
0x3f: {  	_ =	swait.ge [sflag:s14], $0xB80  }
0x40: {  	[sflag:s14] =	ssyncset.done $0x0  }
0x41: {  	s31 =	simm.s32 $0x5080;
	s30 =	rddreg [dreg:$0x9];
	[sflag:s14] =	ssyncadd.s32 $0xFFFFF480  }
0x42: {  	[tilespmem:s31], [sflag:$0x3] =	stream.linear.gather [hbm4b:s30+s3], $0xB80, $0x38;
	[tilespmem:$0x1AF80] =	vst v63  }
0x43: {  	_ =	swait.ge [sflag:s14], $0xB80  }
0x44: {  	[sflag:s14] =	ssyncset.done $0x0  }
0x45: {  	s8 =	simm.s32 $0x5C00;
	s1 =	rddreg [dreg:$0x13];
	[sflag:s14] =	ssyncadd.s32 $0xFFFFF480  }
0x46: {  	[tilespmem:s8], [sflag:$0x3] =	stream.linear.gather [hbm4b:s1+s3], $0xB80, $0x38;
	[tilespmem:$0x1AF80] =	vst v63  }
0x47: {  	_ =	swait.ge [sflag:s14], $0xB80  }
0x48: {  	[sflag:s14] =	ssyncset.done $0x0  }
0x49: {  	s10 =	simm.s32 $0x6780;
	s9 =	rddreg [dreg:$0x14];
	[sflag:s14] =	ssyncadd.s32 $0xFFFFF480  }
0x4a: {  	[tilespmem:s10], [sflag:$0x3] =	stream.linear.gather [hbm4b:s9+s3], $0xB80, $0x38;
	[tilespmem:$0x1AF80] =	vst v63  }
0x4b: {  	_ =	swait.ge [sflag:s14], $0xB80  }
0x4c: {  	[sflag:s14] =	ssyncset.done $0x0  }
0x4d: {  	s31 =	simm.s32 $0x7300;
	s30 =	rddreg [dreg:$0x15];
	[sflag:s14] =	ssyncadd.s32 $0xFFFFF480  }
0x4e: {  	[tilespmem:s31], [sflag:$0x3] =	stream.linear.gather [hbm4b:s30+s3], $0xB80, $0x38;
	[tilespmem:$0x1AF80] =	vst v63  }
0x4f: {  	_ =	swait.ge [sflag:s14], $0xB80  }
0x50: {  	[sflag:s14] =	ssyncset.done $0x0  }
0x51: {  	s8 =	simm.s32 $0x7E80;
	s1 =	rddreg [dreg:$0x16];
	[sflag:s14] =	ssyncadd.s32 $0xFFFFF480  }
0x52: {  	[tilespmem:s8], [sflag:$0x3] =	stream.linear.gather [hbm4b:s1+s3], $0xB80, $0x38;
	[tilespmem:$0x1AF80] =	vst v63  }
0x53: {  	_ =	swait.ge [sflag:s14], $0xB80  }
0x54: {  	[sflag:s14] =	ssyncset.done $0x0  }
0x55: {  	s10 =	simm.s32 $0x8A00;
	s9 =	rddreg [dreg:$0x17];
	[sflag:s14] =	ssyncadd.s32 $0xFFFFF480  }
0x56: {  	[tilespmem:s10], [sflag:$0x3] =	stream.linear.gather [hbm4b:s9+s3], $0xB80, $0x38;
	[tilespmem:$0x1AF80] =	vst v63  }
0x57: {  	_ =	swait.ge [sflag:s14], $0xB80  }
0x58: {  	[sflag:s14] =	ssyncset.done $0x0  }
0x59: {  	s31 =	simm.s32 $0x9580;
	s30 =	rddreg [dreg:$0x18];
	[sflag:s14] =	ssyncadd.s32 $0xFFFFF480  }
0x5a: {  	[tilespmem:s31], [sflag:$0x3] =	stream.linear.gather [hbm4b:s30+s3], $0xB80, $0x38;
	[tilespmem:$0x1AF80] =	vst v63  }
0x5b: {  	_ =	swait.ge [sflag:s14], $0xB80  }
0x5c: {  	[sflag:s14] =	ssyncset.done $0x0  }
0x5d: {  	s8 =	simm.s32 $0xA100;
	s1 =	rddreg [dreg:$0x19];
	[sflag:s14] =	ssyncadd.s32 $0xFFFFF480  }
0x5e: {  	[tilespmem:s8], [sflag:$0x3] =	stream.linear.gather [hbm4b:s1+s3], $0xB80, $0x38;
	[tilespmem:$0x1AF80] =	vst v63  }
0x5f: {  	_ =	swait.ge [sflag:s14], $0xB80  }
0x60: {  	[sflag:s14] =	ssyncset.done $0x0  }
0x61: {  	s10 =	simm.s32 $0xAC80;
	s9 =	rddreg [dreg:$0x1a];
	[sflag:s14] =	ssyncadd.s32 $0xFFFFF480  }
0x62: {  	[tilespmem:s10], [sflag:$0x3] =	stream.linear.gather [hbm4b:s9+s3], $0xB80, $0x38;
	[tilespmem:$0x1AF80] =	vst v63  }
0x63: {  	_ =	swait.ge [sflag:s14], $0xB80  }
0x64: {  	[sflag:s14] =	ssyncset.done $0x0  }
0x65: {  	s31 =	simm.s32 $0xB800;
	s30 =	rddreg [dreg:$0x1b];
	[sflag:s14] =	ssyncadd.s32 $0xFFFFF480  }
0x66: {  	[tilespmem:s31], [sflag:$0x3] =	stream.linear.gather [hbm4b:s30+s3], $0xB80, $0x38;
	[tilespmem:$0x1AF80] =	vst v63  }
0x67: {  	_ =	swait.ge [sflag:s14], $0xB80  }
0x68: {  	[sflag:s14] =	ssyncset.done $0x0  }
0x69: {  	s0 =	simm.s32 $0x40;
	s1 =	simm.s32 $0x0;
	[sflag:s14] =	ssyncadd.s32 $0xFFFFF480  }
.LBB2_2:
0x6a: {  	p0 =	sne.s32 s0, $0x30FC0;
	[tilespmem:s1+$0xC380] =	vst v0;
	s1 =	smov.u32 s0;
	s0 =	sadd.s32 $0x40, s0  }
.Ltmp0:
0x6b: {  	(pc) =	sbr.rel @p0 .LBB2_2-.Ltmp0, $2  }
0x6c: {  	_ =	sdelay $0x2  }
0x6d: {  	s1 =	sshra.s32 s1, $0x2  }
0x6e: {  	[tilespmem:s1+$0xC380] =	vst v0;
	s30 =	simm.s32 $0x0  }
0x6f: {  	[tilespmem:s16], [sflag:$0x1] =	stream.linear.gather [hbm4b:s5+s30], $0x500, $0x38;
	[tilespmem:$0x1AF80] =	vst v63  }
0x70: {  	_ = 	snop  }
0x71: {  	[tilespmem:s17], [sflag:$0x1] =	stream.linear.gather [hbm4b:s2+s30], $0x500, $0x38;
	[tilespmem:$0x1AF80] =	vst v63  }
0x72: {  	_ = 	snop  }
0x73: {  	[tilespmem:s18], [sflag:$0x1] =	stream.linear.gather [hbm4b:s6+s30], $0x500, $0x38;
	[tilespmem:$0x1AF80] =	vst v63  }
0x74: {  	_ = 	snop  }
0x75: {  	[tilespmem:s19], [sflag:$0x1] =	stream.linear.gather [hbm4b:s21+s30], $0x500, $0x38;
	[tilespmem:$0x1AF80] =	vst v63  }
.LBB2_5:
0x76: {  	s31 =	smul.u32 $0xA00, s30;
	_ =	sdelay $0x1  }
0x77: {  	s0 =	sadd.s32 $0x500, s31  }
0x78: {  	s1 =	sshrl.u32 s0, $0x3  }
0x79: {  	s8 =	sadd.s32 s5, s1  }
0x7a: {  	[tilespmem:s20], [sflag:$0x2] =	stream.linear.gather [hbm4b:s8+s3], $0x500, $0x38;
	[tilespmem:$0x1AF80] =	vst v63  }
0x7b: {  	s0 =	sadd.s32 s15, s0;
	s10 =	sadd.s32 s2, s1  }
0x7c: {  	[tilespmem:s22], [sflag:$0x2] =	stream.linear.gather [hbm4b:s10+s3], $0x500, $0x38;
	[tilespmem:$0x1AF80] =	vst v63  }
0x7d: {  	s1 =	sadd.s32 s6, s1;
	s0 =	sshrl.u32 s0, $0x3  }
0x7e: {  	[tilespmem:s23], [sflag:$0x2] =	stream.linear.gather [hbm4b:s1+s3], $0x500, $0x38;
	[tilespmem:$0x1AF80] =	vst v63  }
0x7f: {  	s0 =	sadd.s32 s4, s0  }
0x80: {  	[tilespmem:s24], [sflag:$0x2] =	stream.linear.gather [hbm4b:s0+s3], $0x500, $0x38;
	[tilespmem:$0x1AF80] =	vst v63  }
0x81: {  	_ =	swait.ge [sflag:s25], $0x500  }
0x82: {  	[sflag:s25] =	ssyncset.done $0x0  }
0x83: {  	[sflag:s25] =	ssyncadd.s32 $0xFFFFFB00  }
0x84: {  	_ =	swait.ge [sflag:s25], $0x500  }
0x85: {  	[sflag:s25] =	ssyncset.done $0x0  }
0x86: {  	[sflag:s25] =	ssyncadd.s32 $0xFFFFFB00  }
0x87: {  	_ =	swait.ge [sflag:s25], $0x500  }
0x88: {  	[sflag:s25] =	ssyncset.done $0x0  }
0x89: {  	[sflag:s25] =	ssyncadd.s32 $0xFFFFFB00  }
0x8a: {  	_ =	swait.ge [sflag:s25], $0x500  }
0x8b: {  	[sflag:s25] =	ssyncset.done $0x0  }
0x8c: {  	s9 =	simm.s32 $0x18800;
	[sflag:s25] =	ssyncadd.s32 $0xFFFFFB00  }
0x8d: {  	v1 =	vld [tilespmem:s9+$0x70]  }
0x8e: {  	v2 =	vld [tilespmem:s9+$0xFFFFFF90]  }
0x8f: {  	v3 =	vld [tilespmem:s9+$0xFFFFFFA0]  }
0x90: {  	v4 =	vld [tilespmem:s9+$0xFFFFFFB0]  }
0x91: {  	v5 =	vld [tilespmem:s9+$0xFFFFFFC0]  }
0x92: {  	v6 =	vld [tilespmem:s9+$0xFFFFFFD0]  }
0x93: {  	v7 =	vld [tilespmem:s9+$0xFFFFFFE0]  }
0x94: {  	s1 =	simm.s32 $0x19200;
	v8 =	vld [tilespmem:s9+$0xFFFFFFF0]  }
0x95: {  	s0 =	simm.s32 $0x18D00;
	v9 =	vld [tilespmem:s1+$0x70]  }
0x96: {  	s8 =	simm.s32 $0x19700;
	v10 =	vld [tilespmem:s0+$0x70]  }
0x97: {  	v11 =	vld [tilespmem:s8+$0x70]  }
0x98: {  	v12 =	vld [tilespmem:s9+$0x0]  }
0x99: {  	v13 =	vld [tilespmem:s9+$0x10]  }
0x9a: {  	v14 =	vld [tilespmem:s9+$0x20]  }
0x9b: {  	v37 =	vld [tilespmem:s9+$0x30]  }
0x9c: {  	v15 =	vld [tilespmem:s9+$0x40]  }
0x9d: {  	v38 =	vld [tilespmem:s9+$0x50]  }
0x9e: {  	v39 =	vld [tilespmem:s9+$0xFFFFFF80]  }
0x9f: {  	v16 =	vld [tilespmem:s1+$0xFFFFFF80]  }
0xa0: {  	v17 =	vld [tilespmem:s1+$0xFFFFFF90]  }
0xa1: {  	v18 =	vld [tilespmem:s1+$0xFFFFFFA0]  }
0xa2: {  	v19 =	vld [tilespmem:s1+$0xFFFFFFB0]  }
0xa3: {  	v20 =	vld [tilespmem:s1+$0xFFFFFFC0]  }
0xa4: {  	v21 =	vld [tilespmem:s1+$0xFFFFFFD0]  }
0xa5: {  	v22 =	vld [tilespmem:s1+$0xFFFFFFE0]  }
0xa6: {  	v23 =	vld [tilespmem:s1+$0xFFFFFFF0]  }
0xa7: {  	v24 =	vld [tilespmem:s1+$0x0]  }
0xa8: {  	v25 =	vld [tilespmem:s1+$0x10]  }
0xa9: {  	v26 =	vld [tilespmem:s1+$0x20]  }
0xaa: {  	v27 =	vld [tilespmem:s1+$0x30]  }
0xab: {  	v28 =	vld [tilespmem:s1+$0x40]  }
0xac: {  	v29 =	vld [tilespmem:s1+$0x50]  }
0xad: {  	v30 =	vld [tilespmem:s1+$0x60]  }
0xae: {  	v31 =	vld [tilespmem:s8+$0xFFFFFF80]  }
0xaf: {  	v32 =	vld [tilespmem:s0+$0xFFFFFF80]  }
0xb0: {  	v33 =	vld [tilespmem:s8+$0xFFFFFF90]  }
0xb1: {  	v34 =	vld [tilespmem:s8+$0xFFFFFFA0]  }
0xb2: {  	v35 =	vld [tilespmem:s8+$0xFFFFFFB0]  }
0xb3: {  	v40 =	vld [tilespmem:s0+$0xFFFFFF90]  }
0xb4: {  	v36 =	vld [tilespmem:s8+$0xFFFFFFC0]  }
0xb5: {  	v41 =	vld [tilespmem:s8+$0xFFFFFFD0]  }
0xb6: {  	v42 =	vld [tilespmem:s8+$0xFFFFFFE0]  }
0xb7: {  	v43 =	vld [tilespmem:s8+$0xFFFFFFF0]  }
0xb8: {  	v44 =	vld [tilespmem:s0+$0xFFFFFFB0]  }
0xb9: {  	v45 =	vld [tilespmem:s8+$0x10]  }
0xba: {  	v46 =	vld [tilespmem:s0+$0xFFFFFFC0]  }
0xbb: {  	v47 =	vld [tilespmem:s8+$0x30]  }
0xbc: {  	v48 =	vld [tilespmem:s0+$0xFFFFFFD0]  }
0xbd: {  	v49 =	vld [tilespmem:s8+$0x40]  }
0xbe: {  	v50 =	vld [tilespmem:s8+$0x50]  }
0xbf: {  	v51 =	vld [tilespmem:s8+$0x60]  }
0xc0: {  	v52 =	vld [tilespmem:s0+$0xFFFFFFE0]  }
0xc1: {  	v53 =	vld [tilespmem:s0+$0xFFFFFFF0]  }
0xc2: {  	v54 =	vld [tilespmem:s0+$0x0]  }
0xc3: {  	v55 =	vld [tilespmem:s0+$0x10]  }
0xc4: {  	v56 =	vld [tilespmem:s0+$0x20]  }
0xc5: {  	v57 =	vld [tilespmem:s0+$0x30]  }
0xc6: {  	v58 =	vld [tilespmem:s0+$0x40]  }
0xc7: {  	v59 =	vld [tilespmem:s0+$0x50]  }
0xc8: {  	v60 =	vld [tilespmem:s0+$0x60]  }
0xc9: {  	v1 =	vld.idx.msk [tilespmem:v1+s3+$0x0], $0xffff  }
0xca: {  	v2 =	vld.idx.msk [tilespmem:v2+s3+$0x0], $0xffff  }
0xcb: {  	v3 =	vld.idx.msk [tilespmem:v3+s3+$0x0], $0xffff  }
0xcc: {  	v4 =	vld.idx.msk [tilespmem:v4+s3+$0x0], $0xffff  }
0xcd: {  	v5 =	vld.idx.msk [tilespmem:v5+s3+$0x0], $0xffff  }
0xce: {  	v6 =	vld.idx.msk [tilespmem:v6+s3+$0x0], $0xffff  }
0xcf: {  	v7 =	vld.idx.msk [tilespmem:v7+s3+$0x0], $0xffff  }
0xd0: {  	v8 =	vld.idx.msk [tilespmem:v8+s3+$0x0], $0xffff  }
0xd1: {  	v12 =	vld.idx.msk [tilespmem:v12+s3+$0x0], $0xffff  }
0xd2: {  	v13 =	vld.idx.msk [tilespmem:v13+s3+$0x0], $0xffff  }
0xd3: {  	v14 =	vld.idx.msk [tilespmem:v14+s3+$0x0], $0xffff  }
0xd4: {  	v15 =	vld.idx.msk [tilespmem:v15+s3+$0x0], $0xffff;
	v1 =	vmul.f32 v9, v1  }
0xd5: {  	v9 =	vld.idx.msk [tilespmem:v37+s3+$0x0], $0xffff  }
0xd6: {  	v37 =	vld [tilespmem:s0+$0xFFFFFFA0];
	v1 =	vadd.f32 v11, v1  }
0xd7: {  	v2 =	vmul.f32 v17, v2;
	v11 =	vld.idx.msk [tilespmem:v38+s3+$0x0], $0xffff  }
0xd8: {  	[tilespmem:v10+s26+$0x0] =	vst.idx.add.f32.msk $0xffff, v1  }
0xd9: {  	v4 =	vmul.f32 v19, v4;
	v2 =	vadd.f32 v33, v2;
	v1 =	vld [tilespmem:s9+$0x60]  }
0xda: {  	v5 =	vmul.f32 v20, v5;
	v10 =	vld.idx.msk [tilespmem:v39+s3+$0x0], $0xffff  }
0xdb: {  	v6 =	vmul.f32 v21, v6;
	v4 =	vadd.f32 v35, v4;
	[tilespmem:v40+s26+$0x0] =	vst.idx.add.f32.msk $0xffff, v2  }
0xdc: {  	v7 =	vmul.f32 v22, v7;
	v5 =	vadd.f32 v36, v5;
	v2 =	vld [tilespmem:s8+$0x0]  }
0xdd: {  	v3 =	vmul.f32 v18, v3;
	v6 =	vadd.f32 v41, v6;
	[tilespmem:v44+s26+$0x0] =	vst.idx.add.f32.msk $0xffff, v4  }
0xde: {  	v7 =	vadd.f32 v42, v7;
	[tilespmem:v46+s26+$0x0] =	vst.idx.add.f32.msk $0xffff, v5  }
0xdf: {  	v3 =	vadd.f32 v34, v3;
	[tilespmem:v48+s26+$0x0] =	vst.idx.add.f32.msk $0xffff, v6  }
0xe0: {  	v8 =	vmul.f32 v23, v8;
	[tilespmem:v52+s26+$0x0] =	vst.idx.add.f32.msk $0xffff, v7  }
0xe1: {  	v13 =	vmul.f32 v25, v13;
	[tilespmem:v37+s26+$0x0] =	vst.idx.add.f32.msk $0xffff, v3  }
0xe2: {  	v63 =	vmul.f32 v28, v15;
	v8 =	vadd.f32 v43, v8;
	v3 =	vld [tilespmem:s8+$0x20]  }
0xe3: {  	v12 =	vmul.f32 v24, v12;
	v62 =	vadd.f32 v45, v13;
	v1 =	vld.idx.msk [tilespmem:v1+s3+$0x0], $0xffff  }
0xe4: {  	[tilespmem:v53+s26+$0x0] =	vst.idx.add.f32.msk $0xffff, v8;
	v4 =	vadd.f32 v49, v63;
	v61 =	vmul.f32 v27, v9  }
0xe5: {  	[tilespmem:v55+s26+$0x0] =	vst.idx.add.f32.msk $0xffff, v62;
	v10 =	vmul.f32 v16, v10;
	v2 =	vadd.f32 v2, v12  }
0xe6: {  	v14 =	vmul.f32 v26, v14;
	[tilespmem:v58+s26+$0x0] =	vst.idx.add.f32.msk $0xffff, v4;
	v5 =	vadd.f32 v47, v61  }
0xe7: {  	v10 =	vadd.f32 v31, v10;
	[tilespmem:v54+s26+$0x0] =	vst.idx.add.f32.msk $0xffff, v2;
	v2 =	vmul.f32 v29, v11  }
0xe8: {  	[tilespmem:v57+s26+$0x0] =	vst.idx.add.f32.msk $0xffff, v5;
	v3 =	vadd.f32 v3, v14;
	v1 =	vmul.f32 v30, v1  }
0xe9: {  	[tilespmem:v32+s26+$0x0] =	vst.idx.add.f32.msk $0xffff, v10;
	v2 =	vadd.f32 v50, v2  }
0xea: {  	[tilespmem:v56+s26+$0x0] =	vst.idx.add.f32.msk $0xffff, v3;
	v1 =	vadd.f32 v51, v1  }
0xeb: {  	[tilespmem:v59+s26+$0x0] =	vst.idx.add.f32.msk $0xffff, v2  }
0xec: {  	s10 =	simm.s32 $0x18900;
	s9 =	simm.s32 $0x0;
	[tilespmem:v60+s26+$0x0] =	vst.idx.add.f32.msk $0xffff, v1  }
.LBB2_6:
0xed: {  	v1 =	vld [tilespmem:s10+$0x70];
	s9 =	sadd.s32 $0x10, s9  }
0xee: {  	v2 =	vld [tilespmem:s10+$0xFFFFFF90];
	p0 =	slt.u32 s9, $0x40  }
0xef: {  	v3 =	vld [tilespmem:s10+$0xFFFFFFA0]  }
0xf0: {  	v4 =	vld [tilespmem:s10+$0xFFFFFFB0]  }
0xf1: {  	v5 =	vld [tilespmem:s10+$0xFFFFFFC0]  }
0xf2: {  	v6 =	vld [tilespmem:s10+$0xFFFFFFD0]  }
0xf3: {  	v7 =	vld [tilespmem:s10+$0xFFFFFFE0]  }
0xf4: {  	v8 =	vld [tilespmem:s10+$0xFFFFFFF0]  }
0xf5: {  	s1 =	sadd.s32 $0x100, s1;
	v1 =	vld.idx.msk [tilespmem:v1+s3+$0x0], $0xffff  }
0xf6: {  	s0 =	sadd.s32 $0x100, s0;
	v9 =	vld [tilespmem:s1+$0x70]  }
0xf7: {  	s8 =	sadd.s32 $0x100, s8;
	v10 =	vld [tilespmem:s0+$0x70]  }
0xf8: {  	v11 =	vld [tilespmem:s8+$0x70]  }
0xf9: {  	v12 =	vld [tilespmem:s10+$0x0]  }
0xfa: {  	v13 =	vld [tilespmem:s10+$0x10]  }
0xfb: {  	v14 =	vld [tilespmem:s10+$0x20];
	v1 =	vmul.f32 v9, v1  }
0xfc: {  	v9 =	vld [tilespmem:s10+$0x30]  }
0xfd: {  	v15 =	vld [tilespmem:s10+$0x40];
	v1 =	vadd.f32 v11, v1  }
0xfe: {  	v11 =	vld [tilespmem:s10+$0x50]  }
0xff: {  	[tilespmem:v10+s26+$0x0] =	vst.idx.add.f32.msk $0xffff, v1  }
0x100: {  	v1 =	vld [tilespmem:s10+$0x60]  }
0x101: {  	v10 =	vld [tilespmem:s10+$0xFFFFFF80]  }
0x102: {  	v2 =	vld.idx.msk [tilespmem:v2+s3+$0x0], $0xffff  }
0x103: {  	v3 =	vld.idx.msk [tilespmem:v3+s3+$0x0], $0xffff  }
0x104: {  	v4 =	vld.idx.msk [tilespmem:v4+s3+$0x0], $0xffff  }
0x105: {  	v5 =	vld.idx.msk [tilespmem:v5+s3+$0x0], $0xffff  }
0x106: {  	v6 =	vld.idx.msk [tilespmem:v6+s3+$0x0], $0xffff  }
0x107: {  	v7 =	vld.idx.msk [tilespmem:v7+s3+$0x0], $0xffff  }
0x108: {  	v8 =	vld.idx.msk [tilespmem:v8+s3+$0x0], $0xffff  }
0x109: {  	v10 =	vld.idx.msk [tilespmem:v10+s3+$0x0], $0xffff  }
0x10a: {  	v12 =	vld.idx.msk [tilespmem:v12+s3+$0x0], $0xffff  }
0x10b: {  	v13 =	vld.idx.msk [tilespmem:v13+s3+$0x0], $0xffff  }
0x10c: {  	v14 =	vld.idx.msk [tilespmem:v14+s3+$0x0], $0xffff  }
0x10d: {  	v9 =	vld.idx.msk [tilespmem:v9+s3+$0x0], $0xffff  }
0x10e: {  	v15 =	vld.idx.msk [tilespmem:v15+s3+$0x0], $0xffff  }
0x10f: {  	v11 =	vld.idx.msk [tilespmem:v11+s3+$0x0], $0xffff  }
0x110: {  	v1 =	vld.idx.msk [tilespmem:v1+s3+$0x0], $0xffff  }
0x111: {  	v16 =	vld [tilespmem:s1+$0xFFFFFF80]  }
0x112: {  	v17 =	vld [tilespmem:s1+$0xFFFFFF90]  }
0x113: {  	v18 =	vld [tilespmem:s1+$0xFFFFFFA0]  }
0x114: {  	v19 =	vld [tilespmem:s1+$0xFFFFFFB0]  }
0x115: {  	v20 =	vld [tilespmem:s1+$0xFFFFFFC0]  }
0x116: {  	v10 =	vmul.f32 v16, v10;
	v16 =	vld [tilespmem:s1+$0xFFFFFFD0]  }
0x117: {  	v2 =	vmul.f32 v17, v2;
	v17 =	vld [tilespmem:s1+$0xFFFFFFE0]  }
0x118: {  	v3 =	vmul.f32 v18, v3;
	v18 =	vld [tilespmem:s1+$0xFFFFFFF0]  }
0x119: {  	v4 =	vmul.f32 v19, v4;
	v19 =	vld [tilespmem:s1+$0x0]  }
0x11a: {  	v5 =	vmul.f32 v20, v5;
	v20 =	vld [tilespmem:s1+$0x10]  }
0x11b: {  	v6 =	vmul.f32 v16, v6;
	v16 =	vld [tilespmem:s1+$0x20]  }
0x11c: {  	v7 =	vmul.f32 v17, v7;
	v17 =	vld [tilespmem:s1+$0x30]  }
0x11d: {  	v8 =	vmul.f32 v18, v8;
	v18 =	vld [tilespmem:s1+$0x40]  }
0x11e: {  	v12 =	vmul.f32 v19, v12;
	v19 =	vld [tilespmem:s1+$0x50]  }
0x11f: {  	v13 =	vmul.f32 v20, v13;
	v20 =	vld [tilespmem:s1+$0x60]  }
0x120: {  	v21 =	vld [tilespmem:s8+$0xFFFFFF80];
	v14 =	vmul.f32 v16, v14  }
0x121: {  	v16 =	vld [tilespmem:s8+$0xFFFFFF90];
	v9 =	vmul.f32 v17, v9  }
0x122: {  	v17 =	vld [tilespmem:s8+$0xFFFFFFA0];
	v15 =	vmul.f32 v18, v15  }
0x123: {  	v18 =	vld [tilespmem:s8+$0xFFFFFFB0];
	v11 =	vmul.f32 v19, v11  }
0x124: {  	v19 =	vld [tilespmem:s8+$0xFFFFFFC0];
	v1 =	vmul.f32 v20, v1  }
0x125: {  	v10 =	vadd.f32 v21, v10;
	v20 =	vld [tilespmem:s8+$0xFFFFFFD0]  }
0x126: {  	v2 =	vadd.f32 v16, v2;
	v16 =	vld [tilespmem:s8+$0xFFFFFFE0]  }
0x127: {  	v3 =	vadd.f32 v17, v3;
	v17 =	vld [tilespmem:s8+$0xFFFFFFF0]  }
0x128: {  	v4 =	vadd.f32 v18, v4;
	v18 =	vld [tilespmem:s8+$0x0]  }
0x129: {  	v5 =	vadd.f32 v19, v5;
	v19 =	vld [tilespmem:s8+$0x10]  }
0x12a: {  	v6 =	vadd.f32 v20, v6;
	v20 =	vld [tilespmem:s8+$0x20]  }
0x12b: {  	v7 =	vadd.f32 v16, v7;
	v16 =	vld [tilespmem:s8+$0x30]  }
0x12c: {  	v8 =	vadd.f32 v17, v8;
	v17 =	vld [tilespmem:s8+$0x40]  }
0x12d: {  	v12 =	vadd.f32 v18, v12;
	v18 =	vld [tilespmem:s8+$0x50]  }
0x12e: {  	v13 =	vadd.f32 v19, v13;
	v19 =	vld [tilespmem:s8+$0x60]  }
0x12f: {  	v21 =	vld [tilespmem:s0+$0xFFFFFF80];
	v14 =	vadd.f32 v20, v14  }
0x130: {  	v20 =	vld [tilespmem:s0+$0xFFFFFF90];
	v9 =	vadd.f32 v16, v9  }
0x131: {  	v16 =	vld [tilespmem:s0+$0xFFFFFFA0];
	v15 =	vadd.f32 v17, v15  }
0x132: {  	v17 =	vld [tilespmem:s0+$0xFFFFFFB0];
	v11 =	vadd.f32 v18, v11  }
0x133: {  	v18 =	vld [tilespmem:s0+$0xFFFFFFC0];
	v1 =	vadd.f32 v19, v1  }
0x134: {  	v19 =	vld [tilespmem:s0+$0xFFFFFFD0]  }
0x135: {  	v22 =	vld [tilespmem:s0+$0xFFFFFFE0]  }
0x136: {  	v23 =	vld [tilespmem:s0+$0xFFFFFFF0]  }
0x137: {  	v24 =	vld [tilespmem:s0+$0x0]  }
0x138: {  	v25 =	vld [tilespmem:s0+$0x10]  }
0x139: {  	v26 =	vld [tilespmem:s0+$0x20]  }
0x13a: {  	v27 =	vld [tilespmem:s0+$0x30]  }
0x13b: {  	v28 =	vld [tilespmem:s0+$0x40]  }
0x13c: {  	v29 =	vld [tilespmem:s0+$0x50]  }
0x13d: {  	v30 =	vld [tilespmem:s0+$0x60]  }
0x13e: {  	[tilespmem:v21+s26+$0x0] =	vst.idx.add.f32.msk $0xffff, v10  }
0x13f: {  	[tilespmem:v20+s26+$0x0] =	vst.idx.add.f32.msk $0xffff, v2  }
0x140: {  	[tilespmem:v16+s26+$0x0] =	vst.idx.add.f32.msk $0xffff, v3  }
0x141: {  	[tilespmem:v17+s26+$0x0] =	vst.idx.add.f32.msk $0xffff, v4  }
0x142: {  	[tilespmem:v18+s26+$0x0] =	vst.idx.add.f32.msk $0xffff, v5  }
0x143: {  	[tilespmem:v19+s26+$0x0] =	vst.idx.add.f32.msk $0xffff, v6  }
0x144: {  	[tilespmem:v22+s26+$0x0] =	vst.idx.add.f32.msk $0xffff, v7  }
0x145: {  	[tilespmem:v23+s26+$0x0] =	vst.idx.add.f32.msk $0xffff, v8  }
0x146: {  	[tilespmem:v24+s26+$0x0] =	vst.idx.add.f32.msk $0xffff, v12  }
0x147: {  	[tilespmem:v25+s26+$0x0] =	vst.idx.add.f32.msk $0xffff, v13  }
.Ltmp1:
0x148: {  	[tilespmem:v26+s26+$0x0] =	vst.idx.add.f32.msk $0xffff, v14;
	(pc) =	sbr.rel @p0 .LBB2_6-.Ltmp1, $4  }
0x149: {  	[tilespmem:v27+s26+$0x0] =	vst.idx.add.f32.msk $0xffff, v9  }
0x14a: {  	[tilespmem:v28+s26+$0x0] =	vst.idx.add.f32.msk $0xffff, v15  }
0x14b: {  	[tilespmem:v29+s26+$0x0] =	vst.idx.add.f32.msk $0xffff, v11  }
0x14c: {  	s10 =	sadd.s32 $0x100, s10;
	[tilespmem:v30+s26+$0x0] =	vst.idx.add.f32.msk $0xffff, v1  }
0x14d: {  	p0 =	seq.s32 s30, $0x137  }
0x14e: {  	s0 =	sadd.s32 @!p0 $0xA00, s31  }
0x14f: {  	s1 =	sshrl.u32 @!p0 s0, $0x3  }
0x150: {  	s9 =	simm.s32 @!p0 $0x0;
	s10 =	simm.s32 @!p0 $0x18780;
	s8 =	sadd.s32 @!p0 s5, s1  }
0x151: {  	[tilespmem:s10], [sflag:$0x1] =	stream.linear.gather @!p0 [hbm4b:s8+s9], $0x500, $0x38;
	[tilespmem:$0x1AF80] =	vst v63  }
0x152: {  	s0 =	sadd.s32 @!p0 s15, s0;
	s8 =	sadd.s32 @!p0 s2, s1;
	s10 =	simm.s32 @!p0 $0x18C80  }
0x153: {  	[tilespmem:s10], [sflag:$0x1] =	stream.linear.gather @!p0 [hbm4b:s8+s9], $0x500, $0x38;
	[tilespmem:$0x1AF80] =	vst v63  }
0x154: {  	s0 =	sshrl.u32 @!p0 s0, $0x3;
	s1 =	sadd.s32 @!p0 s6, s1;
	s8 =	simm.s32 @!p0 $0x19180  }
0x155: {  	[tilespmem:s8], [sflag:$0x1] =	stream.linear.gather @!p0 [hbm4b:s1+s9], $0x500, $0x38;
	[tilespmem:$0x1AF80] =	vst v63  }
0x156: {  	s0 =	sadd.s32 @!p0 s4, s0;
	s1 =	simm.s32 @!p0 $0x19680  }
0x157: {  	[tilespmem:s1], [sflag:$0x1] =	stream.linear.gather @!p0 [hbm4b:s0+s9], $0x500, $0x38;
	[tilespmem:$0x1AF80] =	vst v63  }
0x158: {  	_ =	swait.ge [sflag:s28], $0x500  }
0x159: {  	[sflag:s28] =	ssyncset.done $0x0  }
0x15a: {  	[sflag:s28] =	ssyncadd.s32 $0xFFFFFB00  }
0x15b: {  	_ =	swait.ge [sflag:s28], $0x500  }
0x15c: {  	[sflag:s28] =	ssyncset.done $0x0  }
0x15d: {  	[sflag:s28] =	ssyncadd.s32 $0xFFFFFB00  }
0x15e: {  	_ =	swait.ge [sflag:s28], $0x500  }
0x15f: {  	[sflag:s28] =	ssyncset.done $0x0  }
0x160: {  	[sflag:s28] =	ssyncadd.s32 $0xFFFFFB00  }
0x161: {  	_ =	swait.ge [sflag:s28], $0x500  }
0x162: {  	[sflag:s28] =	ssyncset.done $0x0  }
0x163: {  	s10 =	simm.s32 $0x19C00;
	[sflag:s28] =	ssyncadd.s32 $0xFFFFFB00  }
0x164: {  	v1 =	vld [tilespmem:s10+$0x70]  }
0x165: {  	v2 =	vld [tilespmem:s10+$0xFFFFFF90]  }
0x166: {  	v3 =	vld [tilespmem:s10+$0xFFFFFFA0]  }
0x167: {  	v4 =	vld [tilespmem:s10+$0xFFFFFFB0]  }
0x168: {  	v5 =	vld [tilespmem:s10+$0xFFFFFFC0]  }
0x169: {  	v6 =	vld [tilespmem:s10+$0xFFFFFFD0]  }
0x16a: {  	v7 =	vld [tilespmem:s10+$0xFFFFFFE0]  }
0x16b: {  	s31 =	simm.s32 $0x1A600;
	v8 =	vld [tilespmem:s10+$0xFFFFFFF0]  }
0x16c: {  	s1 =	simm.s32 $0x1A100;
	v9 =	vld [tilespmem:s31+$0x70]  }
0x16d: {  	s0 =	simm.s32 $0x1AB00;
	v10 =	vld [tilespmem:s1+$0x70]  }
0x16e: {  	v11 =	vld [tilespmem:s0+$0x70]  }
0x16f: {  	v12 =	vld [tilespmem:s10+$0x0]  }
0x170: {  	v13 =	vld [tilespmem:s10+$0x10]  }
0x171: {  	v14 =	vld [tilespmem:s10+$0x20]  }
0x172: {  	v37 =	vld [tilespmem:s10+$0x30]  }
0x173: {  	v15 =	vld [tilespmem:s10+$0x40]  }
0x174: {  	v38 =	vld [tilespmem:s10+$0x50]  }
0x175: {  	v39 =	vld [tilespmem:s10+$0xFFFFFF80]  }
0x176: {  	v16 =	vld [tilespmem:s31+$0xFFFFFF80]  }
0x177: {  	v17 =	vld [tilespmem:s31+$0xFFFFFF90]  }
0x178: {  	v18 =	vld [tilespmem:s31+$0xFFFFFFA0]  }
0x179: {  	v19 =	vld [tilespmem:s31+$0xFFFFFFB0]  }
0x17a: {  	v20 =	vld [tilespmem:s31+$0xFFFFFFC0]  }
0x17b: {  	v21 =	vld [tilespmem:s31+$0xFFFFFFD0]  }
0x17c: {  	v22 =	vld [tilespmem:s31+$0xFFFFFFE0]  }
0x17d: {  	v23 =	vld [tilespmem:s31+$0xFFFFFFF0]  }
0x17e: {  	v24 =	vld [tilespmem:s31+$0x0]  }
0x17f: {  	v25 =	vld [tilespmem:s31+$0x10]  }
0x180: {  	v26 =	vld [tilespmem:s31+$0x20]  }
0x181: {  	v27 =	vld [tilespmem:s31+$0x30]  }
0x182: {  	v28 =	vld [tilespmem:s31+$0x40]  }
0x183: {  	v29 =	vld [tilespmem:s31+$0x50]  }
0x184: {  	v30 =	vld [tilespmem:s31+$0x60]  }
0x185: {  	v31 =	vld [tilespmem:s0+$0xFFFFFF80]  }
0x186: {  	v32 =	vld [tilespmem:s1+$0xFFFFFF80]  }
0x187: {  	v33 =	vld [tilespmem:s0+$0xFFFFFF90]  }
0x188: {  	v34 =	vld [tilespmem:s0+$0xFFFFFFA0]  }
0x189: {  	v35 =	vld [tilespmem:s0+$0xFFFFFFB0]  }
0x18a: {  	v40 =	vld [tilespmem:s1+$0xFFFFFF90]  }
0x18b: {  	v36 =	vld [tilespmem:s0+$0xFFFFFFC0]  }
0x18c: {  	v41 =	vld [tilespmem:s0+$0xFFFFFFD0]  }
0x18d: {  	v42 =	vld [tilespmem:s0+$0xFFFFFFE0]  }
0x18e: {  	v43 =	vld [tilespmem:s0+$0xFFFFFFF0]  }
0x18f: {  	v44 =	vld [tilespmem:s1+$0xFFFFFFB0]  }
0x190: {  	v45 =	vld [tilespmem:s0+$0x10]  }
0x191: {  	v46 =	vld [tilespmem:s1+$0xFFFFFFC0]  }
0x192: {  	v47 =	vld [tilespmem:s0+$0x30]  }
0x193: {  	v48 =	vld [tilespmem:s1+$0xFFFFFFD0]  }
0x194: {  	v49 =	vld [tilespmem:s0+$0x40]  }
0x195: {  	v50 =	vld [tilespmem:s0+$0x50]  }
0x196: {  	v51 =	vld [tilespmem:s0+$0x60]  }
0x197: {  	v52 =	vld [tilespmem:s1+$0xFFFFFFE0]  }
0x198: {  	v53 =	vld [tilespmem:s1+$0xFFFFFFF0]  }
0x199: {  	v54 =	vld [tilespmem:s1+$0x0]  }
0x19a: {  	v55 =	vld [tilespmem:s1+$0x10]  }
0x19b: {  	v56 =	vld [tilespmem:s1+$0x20]  }
0x19c: {  	v57 =	vld [tilespmem:s1+$0x30]  }
0x19d: {  	v58 =	vld [tilespmem:s1+$0x40]  }
0x19e: {  	v59 =	vld [tilespmem:s1+$0x50]  }
0x19f: {  	v60 =	vld [tilespmem:s1+$0x60]  }
0x1a0: {  	v1 =	vld.idx.msk [tilespmem:v1+s3+$0x0], $0xffff  }
0x1a1: {  	v2 =	vld.idx.msk [tilespmem:v2+s3+$0x0], $0xffff  }
0x1a2: {  	v3 =	vld.idx.msk [tilespmem:v3+s3+$0x0], $0xffff  }
0x1a3: {  	v4 =	vld.idx.msk [tilespmem:v4+s3+$0x0], $0xffff  }
0x1a4: {  	v5 =	vld.idx.msk [tilespmem:v5+s3+$0x0], $0xffff  }
0x1a5: {  	v6 =	vld.idx.msk [tilespmem:v6+s3+$0x0], $0xffff  }
0x1a6: {  	v7 =	vld.idx.msk [tilespmem:v7+s3+$0x0], $0xffff  }
0x1a7: {  	v8 =	vld.idx.msk [tilespmem:v8+s3+$0x0], $0xffff  }
0x1a8: {  	v12 =	vld.idx.msk [tilespmem:v12+s3+$0x0], $0xffff  }
0x1a9: {  	v13 =	vld.idx.msk [tilespmem:v13+s3+$0x0], $0xffff  }
0x1aa: {  	v14 =	vld.idx.msk [tilespmem:v14+s3+$0x0], $0xffff  }
0x1ab: {  	v15 =	vld.idx.msk [tilespmem:v15+s3+$0x0], $0xffff;
	v1 =	vmul.f32 v9, v1  }
0x1ac: {  	v9 =	vld.idx.msk [tilespmem:v37+s3+$0x0], $0xffff  }
0x1ad: {  	v37 =	vld [tilespmem:s1+$0xFFFFFFA0];
	v1 =	vadd.f32 v11, v1  }
0x1ae: {  	v2 =	vmul.f32 v17, v2;
	v11 =	vld.idx.msk [tilespmem:v38+s3+$0x0], $0xffff  }
0x1af: {  	[tilespmem:v10+s26+$0x0] =	vst.idx.add.f32.msk $0xffff, v1  }
0x1b0: {  	v4 =	vmul.f32 v19, v4;
	v2 =	vadd.f32 v33, v2;
	v1 =	vld [tilespmem:s10+$0x60]  }
0x1b1: {  	v5 =	vmul.f32 v20, v5;
	v10 =	vld.idx.msk [tilespmem:v39+s3+$0x0], $0xffff  }
0x1b2: {  	v6 =	vmul.f32 v21, v6;
	v4 =	vadd.f32 v35, v4;
	[tilespmem:v40+s26+$0x0] =	vst.idx.add.f32.msk $0xffff, v2  }
0x1b3: {  	v7 =	vmul.f32 v22, v7;
	v5 =	vadd.f32 v36, v5;
	v2 =	vld [tilespmem:s0+$0x0]  }
0x1b4: {  	v3 =	vmul.f32 v18, v3;
	v6 =	vadd.f32 v41, v6;
	[tilespmem:v44+s26+$0x0] =	vst.idx.add.f32.msk $0xffff, v4  }
0x1b5: {  	v7 =	vadd.f32 v42, v7;
	[tilespmem:v46+s26+$0x0] =	vst.idx.add.f32.msk $0xffff, v5  }
0x1b6: {  	v3 =	vadd.f32 v34, v3;
	[tilespmem:v48+s26+$0x0] =	vst.idx.add.f32.msk $0xffff, v6  }
0x1b7: {  	v8 =	vmul.f32 v23, v8;
	[tilespmem:v52+s26+$0x0] =	vst.idx.add.f32.msk $0xffff, v7  }
0x1b8: {  	v13 =	vmul.f32 v25, v13;
	[tilespmem:v37+s26+$0x0] =	vst.idx.add.f32.msk $0xffff, v3  }
0x1b9: {  	v63 =	vmul.f32 v28, v15;
	v8 =	vadd.f32 v43, v8;
	v3 =	vld [tilespmem:s0+$0x20]  }
0x1ba: {  	v12 =	vmul.f32 v24, v12;
	v62 =	vadd.f32 v45, v13;
	v1 =	vld.idx.msk [tilespmem:v1+s3+$0x0], $0xffff  }
0x1bb: {  	[tilespmem:v53+s26+$0x0] =	vst.idx.add.f32.msk $0xffff, v8;
	v4 =	vadd.f32 v49, v63;
	v61 =	vmul.f32 v27, v9  }
0x1bc: {  	[tilespmem:v55+s26+$0x0] =	vst.idx.add.f32.msk $0xffff, v62;
	v10 =	vmul.f32 v16, v10;
	v2 =	vadd.f32 v2, v12  }
0x1bd: {  	v14 =	vmul.f32 v26, v14;
	[tilespmem:v58+s26+$0x0] =	vst.idx.add.f32.msk $0xffff, v4;
	v5 =	vadd.f32 v47, v61  }
0x1be: {  	v10 =	vadd.f32 v31, v10;
	[tilespmem:v54+s26+$0x0] =	vst.idx.add.f32.msk $0xffff, v2;
	v2 =	vmul.f32 v29, v11  }
0x1bf: {  	[tilespmem:v57+s26+$0x0] =	vst.idx.add.f32.msk $0xffff, v5;
	v3 =	vadd.f32 v3, v14;
	v1 =	vmul.f32 v30, v1  }
0x1c0: {  	[tilespmem:v32+s26+$0x0] =	vst.idx.add.f32.msk $0xffff, v10;
	v2 =	vadd.f32 v50, v2  }
0x1c1: {  	[tilespmem:v56+s26+$0x0] =	vst.idx.add.f32.msk $0xffff, v3;
	v1 =	vadd.f32 v51, v1  }
0x1c2: {  	[tilespmem:v59+s26+$0x0] =	vst.idx.add.f32.msk $0xffff, v2  }
0x1c3: {  	s30 =	sadd.s32 $0x1, s30;
	s8 =	simm.s32 $0x0;
	s9 =	simm.s32 $0x19D00;
	[tilespmem:v60+s26+$0x0] =	vst.idx.add.f32.msk $0xffff, v1  }
.LBB2_8:
0x1c4: {  	v1 =	vld [tilespmem:s9+$0x70];
	s8 =	sadd.s32 $0x10, s8  }
0x1c5: {  	v2 =	vld [tilespmem:s9+$0xFFFFFF90];
	p0 =	slt.u32 s8, $0x40  }
0x1c6: {  	v3 =	vld [tilespmem:s9+$0xFFFFFFA0]  }
0x1c7: {  	v4 =	vld [tilespmem:s9+$0xFFFFFFB0]  }
0x1c8: {  	v5 =	vld [tilespmem:s9+$0xFFFFFFC0]  }
0x1c9: {  	v6 =	vld [tilespmem:s9+$0xFFFFFFD0]  }
0x1ca: {  	v7 =	vld [tilespmem:s9+$0xFFFFFFE0]  }
0x1cb: {  	v8 =	vld [tilespmem:s9+$0xFFFFFFF0]  }
0x1cc: {  	s31 =	sadd.s32 $0x100, s31;
	v1 =	vld.idx.msk [tilespmem:v1+s3+$0x0], $0xffff  }
0x1cd: {  	s1 =	sadd.s32 $0x100, s1;
	v9 =	vld [tilespmem:s31+$0x70]  }
0x1ce: {  	s0 =	sadd.s32 $0x100, s0;
	v10 =	vld [tilespmem:s1+$0x70]  }
0x1cf: {  	v11 =	vld [tilespmem:s0+$0x70]  }
0x1d0: {  	v12 =	vld [tilespmem:s9+$0x0]  }
0x1d1: {  	v13 =	vld [tilespmem:s9+$0x10]  }
0x1d2: {  	v14 =	vld [tilespmem:s9+$0x20];
	v1 =	vmul.f32 v9, v1  }
0x1d3: {  	v9 =	vld [tilespmem:s9+$0x30]  }
0x1d4: {  	v15 =	vld [tilespmem:s9+$0x40];
	v1 =	vadd.f32 v11, v1  }
0x1d5: {  	v11 =	vld [tilespmem:s9+$0x50]  }
0x1d6: {  	[tilespmem:v10+s26+$0x0] =	vst.idx.add.f32.msk $0xffff, v1  }
0x1d7: {  	v1 =	vld [tilespmem:s9+$0x60]  }
0x1d8: {  	v10 =	vld [tilespmem:s9+$0xFFFFFF80]  }
0x1d9: {  	v2 =	vld.idx.msk [tilespmem:v2+s3+$0x0], $0xffff  }
0x1da: {  	v3 =	vld.idx.msk [tilespmem:v3+s3+$0x0], $0xffff  }
0x1db: {  	v4 =	vld.idx.msk [tilespmem:v4+s3+$0x0], $0xffff  }
0x1dc: {  	v5 =	vld.idx.msk [tilespmem:v5+s3+$0x0], $0xffff  }
0x1dd: {  	v6 =	vld.idx.msk [tilespmem:v6+s3+$0x0], $0xffff  }
0x1de: {  	v7 =	vld.idx.msk [tilespmem:v7+s3+$0x0], $0xffff  }
0x1df: {  	v8 =	vld.idx.msk [tilespmem:v8+s3+$0x0], $0xffff  }
0x1e0: {  	v10 =	vld.idx.msk [tilespmem:v10+s3+$0x0], $0xffff  }
0x1e1: {  	v12 =	vld.idx.msk [tilespmem:v12+s3+$0x0], $0xffff  }
0x1e2: {  	v13 =	vld.idx.msk [tilespmem:v13+s3+$0x0], $0xffff  }
0x1e3: {  	v14 =	vld.idx.msk [tilespmem:v14+s3+$0x0], $0xffff  }
0x1e4: {  	v9 =	vld.idx.msk [tilespmem:v9+s3+$0x0], $0xffff  }
0x1e5: {  	v15 =	vld.idx.msk [tilespmem:v15+s3+$0x0], $0xffff  }
0x1e6: {  	v11 =	vld.idx.msk [tilespmem:v11+s3+$0x0], $0xffff  }
0x1e7: {  	v1 =	vld.idx.msk [tilespmem:v1+s3+$0x0], $0xffff  }
0x1e8: {  	v16 =	vld [tilespmem:s31+$0xFFFFFF80]  }
0x1e9: {  	v17 =	vld [tilespmem:s31+$0xFFFFFF90]  }
0x1ea: {  	v18 =	vld [tilespmem:s31+$0xFFFFFFA0]  }
0x1eb: {  	v19 =	vld [tilespmem:s31+$0xFFFFFFB0]  }
0x1ec: {  	v20 =	vld [tilespmem:s31+$0xFFFFFFC0]  }
0x1ed: {  	v10 =	vmul.f32 v16, v10;
	v16 =	vld [tilespmem:s31+$0xFFFFFFD0]  }
0x1ee: {  	v2 =	vmul.f32 v17, v2;
	v17 =	vld [tilespmem:s31+$0xFFFFFFE0]  }
0x1ef: {  	v3 =	vmul.f32 v18, v3;
	v18 =	vld [tilespmem:s31+$0xFFFFFFF0]  }
0x1f0: {  	v4 =	vmul.f32 v19, v4;
	v19 =	vld [tilespmem:s31+$0x0]  }
0x1f1: {  	v5 =	vmul.f32 v20, v5;
	v20 =	vld [tilespmem:s31+$0x10]  }
0x1f2: {  	v6 =	vmul.f32 v16, v6;
	v16 =	vld [tilespmem:s31+$0x20]  }
0x1f3: {  	v7 =	vmul.f32 v17, v7;
	v17 =	vld [tilespmem:s31+$0x30]  }
0x1f4: {  	v8 =	vmul.f32 v18, v8;
	v18 =	vld [tilespmem:s31+$0x40]  }
0x1f5: {  	v12 =	vmul.f32 v19, v12;
	v19 =	vld [tilespmem:s31+$0x50]  }
0x1f6: {  	v13 =	vmul.f32 v20, v13;
	v20 =	vld [tilespmem:s31+$0x60]  }
0x1f7: {  	v21 =	vld [tilespmem:s0+$0xFFFFFF80];
	v14 =	vmul.f32 v16, v14  }
0x1f8: {  	v16 =	vld [tilespmem:s0+$0xFFFFFF90];
	v9 =	vmul.f32 v17, v9  }
0x1f9: {  	v17 =	vld [tilespmem:s0+$0xFFFFFFA0];
	v15 =	vmul.f32 v18, v15  }
0x1fa: {  	v18 =	vld [tilespmem:s0+$0xFFFFFFB0];
	v11 =	vmul.f32 v19, v11  }
0x1fb: {  	v19 =	vld [tilespmem:s0+$0xFFFFFFC0];
	v1 =	vmul.f32 v20, v1  }
0x1fc: {  	v10 =	vadd.f32 v21, v10;
	v20 =	vld [tilespmem:s0+$0xFFFFFFD0]  }
0x1fd: {  	v2 =	vadd.f32 v16, v2;
	v16 =	vld [tilespmem:s0+$0xFFFFFFE0]  }
0x1fe: {  	v3 =	vadd.f32 v17, v3;
	v17 =	vld [tilespmem:s0+$0xFFFFFFF0]  }
0x1ff: {  	v4 =	vadd.f32 v18, v4;
	v18 =	vld [tilespmem:s0+$0x0]  }
0x200: {  	v5 =	vadd.f32 v19, v5;
	v19 =	vld [tilespmem:s0+$0x10]  }
0x201: {  	v6 =	vadd.f32 v20, v6;
	v20 =	vld [tilespmem:s0+$0x20]  }
0x202: {  	v7 =	vadd.f32 v16, v7;
	v16 =	vld [tilespmem:s0+$0x30]  }
0x203: {  	v8 =	vadd.f32 v17, v8;
	v17 =	vld [tilespmem:s0+$0x40]  }
0x204: {  	v12 =	vadd.f32 v18, v12;
	v18 =	vld [tilespmem:s0+$0x50]  }
0x205: {  	v13 =	vadd.f32 v19, v13;
	v19 =	vld [tilespmem:s0+$0x60]  }
0x206: {  	v21 =	vld [tilespmem:s1+$0xFFFFFF80];
	v14 =	vadd.f32 v20, v14  }
0x207: {  	v20 =	vld [tilespmem:s1+$0xFFFFFF90];
	v9 =	vadd.f32 v16, v9  }
0x208: {  	v16 =	vld [tilespmem:s1+$0xFFFFFFA0];
	v15 =	vadd.f32 v17, v15  }
0x209: {  	v17 =	vld [tilespmem:s1+$0xFFFFFFB0];
	v11 =	vadd.f32 v18, v11  }
0x20a: {  	v18 =	vld [tilespmem:s1+$0xFFFFFFC0];
	v1 =	vadd.f32 v19, v1  }
0x20b: {  	v19 =	vld [tilespmem:s1+$0xFFFFFFD0]  }
0x20c: {  	v22 =	vld [tilespmem:s1+$0xFFFFFFE0]  }
0x20d: {  	v23 =	vld [tilespmem:s1+$0xFFFFFFF0]  }
0x20e: {  	v24 =	vld [tilespmem:s1+$0x0]  }
0x20f: {  	v25 =	vld [tilespmem:s1+$0x10]  }
0x210: {  	v26 =	vld [tilespmem:s1+$0x20]  }
0x211: {  	v27 =	vld [tilespmem:s1+$0x30]  }
0x212: {  	v28 =	vld [tilespmem:s1+$0x40]  }
0x213: {  	v29 =	vld [tilespmem:s1+$0x50]  }
0x214: {  	v30 =	vld [tilespmem:s1+$0x60]  }
0x215: {  	[tilespmem:v21+s26+$0x0] =	vst.idx.add.f32.msk $0xffff, v10  }
0x216: {  	[tilespmem:v20+s26+$0x0] =	vst.idx.add.f32.msk $0xffff, v2  }
0x217: {  	[tilespmem:v16+s26+$0x0] =	vst.idx.add.f32.msk $0xffff, v3  }
0x218: {  	[tilespmem:v17+s26+$0x0] =	vst.idx.add.f32.msk $0xffff, v4  }
0x219: {  	[tilespmem:v18+s26+$0x0] =	vst.idx.add.f32.msk $0xffff, v5  }
0x21a: {  	[tilespmem:v19+s26+$0x0] =	vst.idx.add.f32.msk $0xffff, v6  }
0x21b: {  	[tilespmem:v22+s26+$0x0] =	vst.idx.add.f32.msk $0xffff, v7  }
0x21c: {  	[tilespmem:v23+s26+$0x0] =	vst.idx.add.f32.msk $0xffff, v8  }
0x21d: {  	[tilespmem:v24+s26+$0x0] =	vst.idx.add.f32.msk $0xffff, v12  }
0x21e: {  	[tilespmem:v25+s26+$0x0] =	vst.idx.add.f32.msk $0xffff, v13  }
.Ltmp2:
0x21f: {  	[tilespmem:v26+s26+$0x0] =	vst.idx.add.f32.msk $0xffff, v14;
	(pc) =	sbr.rel @p0 .LBB2_8-.Ltmp2, $4  }
0x220: {  	[tilespmem:v27+s26+$0x0] =	vst.idx.add.f32.msk $0xffff, v9  }
0x221: {  	[tilespmem:v28+s26+$0x0] =	vst.idx.add.f32.msk $0xffff, v15  }
0x222: {  	[tilespmem:v29+s26+$0x0] =	vst.idx.add.f32.msk $0xffff, v11  }
0x223: {  	s9 =	sadd.s32 $0x100, s9;
	[tilespmem:v30+s26+$0x0] =	vst.idx.add.f32.msk $0xffff, v1  }
0x224: {  	p0 =	seq.s32 s30, $0x138  }
.Ltmp3:
0x225: {  	_ = 	snop;
	(pc) =	sbr.rel @!p0 .LBB2_5-.Ltmp3, $1  }
0x226: {  	_ =	sdelay $0x3  }
0x227: {  	s0 =	rddreg [dreg:$0x1c]  }
0x228: {  	[tilespmem:s16], [sflag:$0x1] =	stream.linear.gather [hbm4b:s0+s3], $0x500, $0x38;
	[tilespmem:$0x1AF80] =	vst v63  }
0x229: {  	_ = 	snop  }
0x22a: {  	[tilespmem:s17], [sflag:$0x1] =	stream.linear.gather [hbm4b:s11+s3], $0x500, $0x38;
	[tilespmem:$0x1AF80] =	vst v63  }
0x22b: {  	_ = 	snop  }
0x22c: {  	[tilespmem:s18], [sflag:$0x1] =	stream.linear.gather [hbm4b:s12+s3], $0x500, $0x38;
	[tilespmem:$0x1AF80] =	vst v63  }
0x22d: {  	_ = 	snop  }
0x22e: {  	[tilespmem:s19], [sflag:$0x1] =	stream.linear.gather [hbm4b:s13+s3], $0x500, $0x38;
	[tilespmem:$0x1AF80] =	vst v63  }
0x22f: {  	_ =	swait.ge [sflag:s25], $0x500  }
0x230: {  	[sflag:s25] =	ssyncset.done $0x0  }
0x231: {  	[sflag:s25] =	ssyncadd.s32 $0xFFFFFB00  }
0x232: {  	_ =	swait.ge [sflag:s25], $0x500  }
0x233: {  	[sflag:s25] =	ssyncset.done $0x0  }
0x234: {  	[sflag:s25] =	ssyncadd.s32 $0xFFFFFB00  }
0x235: {  	_ =	swait.ge [sflag:s25], $0x500  }
0x236: {  	[sflag:s25] =	ssyncset.done $0x0  }
0x237: {  	[sflag:s25] =	ssyncadd.s32 $0xFFFFFB00  }
0x238: {  	_ =	swait.ge [sflag:s25], $0x500  }
0x239: {  	[sflag:s25] =	ssyncset.done $0x0  }
0x23a: {  	s9 =	simm.s32 $0x18800;
	[sflag:s25] =	ssyncadd.s32 $0xFFFFFB00  }
0x23b: {  	v1 =	vld [tilespmem:s9+$0x70]  }
0x23c: {  	v2 =	vld [tilespmem:s9+$0xFFFFFF90]  }
0x23d: {  	v3 =	vld [tilespmem:s9+$0xFFFFFFA0]  }
0x23e: {  	v4 =	vld [tilespmem:s9+$0xFFFFFFB0]  }
0x23f: {  	v5 =	vld [tilespmem:s9+$0xFFFFFFC0]  }
0x240: {  	v6 =	vld [tilespmem:s9+$0xFFFFFFD0]  }
0x241: {  	v7 =	vld [tilespmem:s9+$0xFFFFFFE0]  }
0x242: {  	s1 =	simm.s32 $0x19200;
	v8 =	vld [tilespmem:s9+$0xFFFFFFF0]  }
0x243: {  	s0 =	simm.s32 $0x18D00;
	v9 =	vld [tilespmem:s1+$0x70]  }
0x244: {  	s8 =	simm.s32 $0x19700;
	v10 =	vld [tilespmem:s0+$0x70]  }
0x245: {  	v11 =	vld [tilespmem:s8+$0x70]  }
0x246: {  	v12 =	vld [tilespmem:s9+$0x0]  }
0x247: {  	v13 =	vld [tilespmem:s9+$0x10]  }
0x248: {  	v14 =	vld [tilespmem:s9+$0x20]  }
0x249: {  	v37 =	vld [tilespmem:s9+$0x30]  }
0x24a: {  	v15 =	vld [tilespmem:s9+$0x40]  }
0x24b: {  	v38 =	vld [tilespmem:s9+$0x50]  }
0x24c: {  	v39 =	vld [tilespmem:s9+$0xFFFFFF80]  }
0x24d: {  	v16 =	vld [tilespmem:s1+$0xFFFFFF80]  }
0x24e: {  	v17 =	vld [tilespmem:s1+$0xFFFFFF90]  }
0x24f: {  	v18 =	vld [tilespmem:s1+$0xFFFFFFA0]  }
0x250: {  	v19 =	vld [tilespmem:s1+$0xFFFFFFB0]  }
0x251: {  	v20 =	vld [tilespmem:s1+$0xFFFFFFC0]  }
0x252: {  	v21 =	vld [tilespmem:s1+$0xFFFFFFD0]  }
0x253: {  	v22 =	vld [tilespmem:s1+$0xFFFFFFE0]  }
0x254: {  	v23 =	vld [tilespmem:s1+$0xFFFFFFF0]  }
0x255: {  	v24 =	vld [tilespmem:s1+$0x0]  }
0x256: {  	v25 =	vld [tilespmem:s1+$0x10]  }
0x257: {  	v26 =	vld [tilespmem:s1+$0x20]  }
0x258: {  	v27 =	vld [tilespmem:s1+$0x30]  }
0x259: {  	v28 =	vld [tilespmem:s1+$0x40]  }
0x25a: {  	v29 =	vld [tilespmem:s1+$0x50]  }
0x25b: {  	v30 =	vld [tilespmem:s1+$0x60]  }
0x25c: {  	v31 =	vld [tilespmem:s8+$0xFFFFFF80]  }
0x25d: {  	v32 =	vld [tilespmem:s0+$0xFFFFFF80]  }
0x25e: {  	v33 =	vld [tilespmem:s8+$0xFFFFFF90]  }
0x25f: {  	v34 =	vld [tilespmem:s8+$0xFFFFFFA0]  }
0x260: {  	v35 =	vld [tilespmem:s8+$0xFFFFFFB0]  }
0x261: {  	v40 =	vld [tilespmem:s0+$0xFFFFFF90]  }
0x262: {  	v36 =	vld [tilespmem:s8+$0xFFFFFFC0]  }
0x263: {  	v41 =	vld [tilespmem:s8+$0xFFFFFFD0]  }
0x264: {  	v42 =	vld [tilespmem:s8+$0xFFFFFFE0]  }
0x265: {  	v43 =	vld [tilespmem:s8+$0xFFFFFFF0]  }
0x266: {  	v44 =	vld [tilespmem:s0+$0xFFFFFFB0]  }
0x267: {  	v45 =	vld [tilespmem:s8+$0x10]  }
0x268: {  	v46 =	vld [tilespmem:s0+$0xFFFFFFC0]  }
0x269: {  	v47 =	vld [tilespmem:s8+$0x30]  }
0x26a: {  	v48 =	vld [tilespmem:s0+$0xFFFFFFD0]  }
0x26b: {  	v49 =	vld [tilespmem:s8+$0x40]  }
0x26c: {  	v50 =	vld [tilespmem:s8+$0x50]  }
0x26d: {  	v51 =	vld [tilespmem:s8+$0x60]  }
0x26e: {  	v52 =	vld [tilespmem:s0+$0xFFFFFFE0]  }
0x26f: {  	v53 =	vld [tilespmem:s0+$0xFFFFFFF0]  }
0x270: {  	v54 =	vld [tilespmem:s0+$0x0]  }
0x271: {  	v55 =	vld [tilespmem:s0+$0x10]  }
0x272: {  	v56 =	vld [tilespmem:s0+$0x20]  }
0x273: {  	v57 =	vld [tilespmem:s0+$0x30]  }
0x274: {  	v58 =	vld [tilespmem:s0+$0x40]  }
0x275: {  	v59 =	vld [tilespmem:s0+$0x50]  }
0x276: {  	v60 =	vld [tilespmem:s0+$0x60]  }
0x277: {  	v1 =	vld.idx.msk [tilespmem:v1+s3+$0x0], $0xffff  }
0x278: {  	v2 =	vld.idx.msk [tilespmem:v2+s3+$0x0], $0xffff  }
0x279: {  	v3 =	vld.idx.msk [tilespmem:v3+s3+$0x0], $0xffff  }
0x27a: {  	v4 =	vld.idx.msk [tilespmem:v4+s3+$0x0], $0xffff  }
0x27b: {  	v5 =	vld.idx.msk [tilespmem:v5+s3+$0x0], $0xffff  }
0x27c: {  	v6 =	vld.idx.msk [tilespmem:v6+s3+$0x0], $0xffff  }
0x27d: {  	v7 =	vld.idx.msk [tilespmem:v7+s3+$0x0], $0xffff  }
0x27e: {  	v8 =	vld.idx.msk [tilespmem:v8+s3+$0x0], $0xffff  }
0x27f: {  	v12 =	vld.idx.msk [tilespmem:v12+s3+$0x0], $0xffff  }
0x280: {  	v13 =	vld.idx.msk [tilespmem:v13+s3+$0x0], $0xffff  }
0x281: {  	v14 =	vld.idx.msk [tilespmem:v14+s3+$0x0], $0xffff  }
0x282: {  	v15 =	vld.idx.msk [tilespmem:v15+s3+$0x0], $0xffff;
	v1 =	vmul.f32 v9, v1  }
0x283: {  	v9 =	vld.idx.msk [tilespmem:v37+s3+$0x0], $0xffff  }
0x284: {  	v37 =	vld [tilespmem:s0+$0xFFFFFFA0];
	v1 =	vadd.f32 v11, v1  }
0x285: {  	v2 =	vmul.f32 v17, v2;
	v11 =	vld.idx.msk [tilespmem:v38+s3+$0x0], $0xffff  }
0x286: {  	[tilespmem:v10+s26+$0x0] =	vst.idx.add.f32.msk $0xffff, v1  }
0x287: {  	v4 =	vmul.f32 v19, v4;
	v2 =	vadd.f32 v33, v2;
	v1 =	vld [tilespmem:s9+$0x60]  }
0x288: {  	v5 =	vmul.f32 v20, v5;
	v10 =	vld.idx.msk [tilespmem:v39+s3+$0x0], $0xffff  }
0x289: {  	v6 =	vmul.f32 v21, v6;
	v4 =	vadd.f32 v35, v4;
	[tilespmem:v40+s26+$0x0] =	vst.idx.add.f32.msk $0xffff, v2  }
0x28a: {  	v7 =	vmul.f32 v22, v7;
	v5 =	vadd.f32 v36, v5;
	v2 =	vld [tilespmem:s8+$0x0]  }
0x28b: {  	v3 =	vmul.f32 v18, v3;
	v6 =	vadd.f32 v41, v6;
	[tilespmem:v44+s26+$0x0] =	vst.idx.add.f32.msk $0xffff, v4  }
0x28c: {  	v7 =	vadd.f32 v42, v7;
	[tilespmem:v46+s26+$0x0] =	vst.idx.add.f32.msk $0xffff, v5  }
0x28d: {  	v3 =	vadd.f32 v34, v3;
	[tilespmem:v48+s26+$0x0] =	vst.idx.add.f32.msk $0xffff, v6  }
0x28e: {  	v8 =	vmul.f32 v23, v8;
	[tilespmem:v52+s26+$0x0] =	vst.idx.add.f32.msk $0xffff, v7  }
0x28f: {  	v13 =	vmul.f32 v25, v13;
	[tilespmem:v37+s26+$0x0] =	vst.idx.add.f32.msk $0xffff, v3  }
0x290: {  	v63 =	vmul.f32 v28, v15;
	v8 =	vadd.f32 v43, v8;
	v3 =	vld [tilespmem:s8+$0x20]  }
0x291: {  	v12 =	vmul.f32 v24, v12;
	v62 =	vadd.f32 v45, v13;
	v1 =	vld.idx.msk [tilespmem:v1+s3+$0x0], $0xffff  }
0x292: {  	[tilespmem:v53+s26+$0x0] =	vst.idx.add.f32.msk $0xffff, v8;
	v4 =	vadd.f32 v49, v63;
	v61 =	vmul.f32 v27, v9  }
0x293: {  	[tilespmem:v55+s26+$0x0] =	vst.idx.add.f32.msk $0xffff, v62;
	v10 =	vmul.f32 v16, v10;
	v2 =	vadd.f32 v2, v12  }
0x294: {  	v14 =	vmul.f32 v26, v14;
	[tilespmem:v58+s26+$0x0] =	vst.idx.add.f32.msk $0xffff, v4;
	v5 =	vadd.f32 v47, v61  }
0x295: {  	v10 =	vadd.f32 v31, v10;
	[tilespmem:v54+s26+$0x0] =	vst.idx.add.f32.msk $0xffff, v2;
	v2 =	vmul.f32 v29, v11  }
0x296: {  	[tilespmem:v57+s26+$0x0] =	vst.idx.add.f32.msk $0xffff, v5;
	v3 =	vadd.f32 v3, v14;
	v1 =	vmul.f32 v30, v1  }
0x297: {  	[tilespmem:v32+s26+$0x0] =	vst.idx.add.f32.msk $0xffff, v10;
	v2 =	vadd.f32 v50, v2  }
0x298: {  	[tilespmem:v56+s26+$0x0] =	vst.idx.add.f32.msk $0xffff, v3;
	v1 =	vadd.f32 v51, v1  }
0x299: {  	[tilespmem:v59+s26+$0x0] =	vst.idx.add.f32.msk $0xffff, v2  }
0x29a: {  	s10 =	simm.s32 $0x18900;
	s9 =	simm.s32 $0x0;
	[tilespmem:v60+s26+$0x0] =	vst.idx.add.f32.msk $0xffff, v1  }
.LBB2_10:
0x29b: {  	v1 =	vld [tilespmem:s10+$0x70];
	s9 =	sadd.s32 $0x10, s9  }
0x29c: {  	v2 =	vld [tilespmem:s10+$0xFFFFFF90];
	p0 =	slt.u32 s9, $0x40  }
0x29d: {  	v3 =	vld [tilespmem:s10+$0xFFFFFFA0]  }
0x29e: {  	v4 =	vld [tilespmem:s10+$0xFFFFFFB0]  }
0x29f: {  	v5 =	vld [tilespmem:s10+$0xFFFFFFC0]  }
0x2a0: {  	v6 =	vld [tilespmem:s10+$0xFFFFFFD0]  }
0x2a1: {  	v7 =	vld [tilespmem:s10+$0xFFFFFFE0]  }
0x2a2: {  	v8 =	vld [tilespmem:s10+$0xFFFFFFF0]  }
0x2a3: {  	s1 =	sadd.s32 $0x100, s1;
	v1 =	vld.idx.msk [tilespmem:v1+s3+$0x0], $0xffff  }
0x2a4: {  	s0 =	sadd.s32 $0x100, s0;
	v9 =	vld [tilespmem:s1+$0x70]  }
0x2a5: {  	s8 =	sadd.s32 $0x100, s8;
	v10 =	vld [tilespmem:s0+$0x70]  }
0x2a6: {  	v11 =	vld [tilespmem:s8+$0x70]  }
0x2a7: {  	v12 =	vld [tilespmem:s10+$0x0]  }
0x2a8: {  	v13 =	vld [tilespmem:s10+$0x10]  }
0x2a9: {  	v14 =	vld [tilespmem:s10+$0x20];
	v1 =	vmul.f32 v9, v1  }
0x2aa: {  	v9 =	vld [tilespmem:s10+$0x30]  }
0x2ab: {  	v15 =	vld [tilespmem:s10+$0x40];
	v1 =	vadd.f32 v11, v1  }
0x2ac: {  	v11 =	vld [tilespmem:s10+$0x50]  }
0x2ad: {  	[tilespmem:v10+s26+$0x0] =	vst.idx.add.f32.msk $0xffff, v1  }
0x2ae: {  	v1 =	vld [tilespmem:s10+$0x60]  }
0x2af: {  	v10 =	vld [tilespmem:s10+$0xFFFFFF80]  }
0x2b0: {  	v2 =	vld.idx.msk [tilespmem:v2+s3+$0x0], $0xffff  }
0x2b1: {  	v3 =	vld.idx.msk [tilespmem:v3+s3+$0x0], $0xffff  }
0x2b2: {  	v4 =	vld.idx.msk [tilespmem:v4+s3+$0x0], $0xffff  }
0x2b3: {  	v5 =	vld.idx.msk [tilespmem:v5+s3+$0x0], $0xffff  }
0x2b4: {  	v6 =	vld.idx.msk [tilespmem:v6+s3+$0x0], $0xffff  }
0x2b5: {  	v7 =	vld.idx.msk [tilespmem:v7+s3+$0x0], $0xffff  }
0x2b6: {  	v8 =	vld.idx.msk [tilespmem:v8+s3+$0x0], $0xffff  }
0x2b7: {  	v10 =	vld.idx.msk [tilespmem:v10+s3+$0x0], $0xffff  }
0x2b8: {  	v12 =	vld.idx.msk [tilespmem:v12+s3+$0x0], $0xffff  }
0x2b9: {  	v13 =	vld.idx.msk [tilespmem:v13+s3+$0x0], $0xffff  }
0x2ba: {  	v14 =	vld.idx.msk [tilespmem:v14+s3+$0x0], $0xffff  }
0x2bb: {  	v9 =	vld.idx.msk [tilespmem:v9+s3+$0x0], $0xffff  }
0x2bc: {  	v15 =	vld.idx.msk [tilespmem:v15+s3+$0x0], $0xffff  }
0x2bd: {  	v11 =	vld.idx.msk [tilespmem:v11+s3+$0x0], $0xffff  }
0x2be: {  	v1 =	vld.idx.msk [tilespmem:v1+s3+$0x0], $0xffff  }
0x2bf: {  	v16 =	vld [tilespmem:s1+$0xFFFFFF80]  }
0x2c0: {  	v17 =	vld [tilespmem:s1+$0xFFFFFF90]  }
0x2c1: {  	v18 =	vld [tilespmem:s1+$0xFFFFFFA0]  }
0x2c2: {  	v19 =	vld [tilespmem:s1+$0xFFFFFFB0]  }
0x2c3: {  	v20 =	vld [tilespmem:s1+$0xFFFFFFC0]  }
0x2c4: {  	v10 =	vmul.f32 v16, v10;
	v16 =	vld [tilespmem:s1+$0xFFFFFFD0]  }
0x2c5: {  	v2 =	vmul.f32 v17, v2;
	v17 =	vld [tilespmem:s1+$0xFFFFFFE0]  }
0x2c6: {  	v3 =	vmul.f32 v18, v3;
	v18 =	vld [tilespmem:s1+$0xFFFFFFF0]  }
0x2c7: {  	v4 =	vmul.f32 v19, v4;
	v19 =	vld [tilespmem:s1+$0x0]  }
0x2c8: {  	v5 =	vmul.f32 v20, v5;
	v20 =	vld [tilespmem:s1+$0x10]  }
0x2c9: {  	v6 =	vmul.f32 v16, v6;
	v16 =	vld [tilespmem:s1+$0x20]  }
0x2ca: {  	v7 =	vmul.f32 v17, v7;
	v17 =	vld [tilespmem:s1+$0x30]  }
0x2cb: {  	v8 =	vmul.f32 v18, v8;
	v18 =	vld [tilespmem:s1+$0x40]  }
0x2cc: {  	v12 =	vmul.f32 v19, v12;
	v19 =	vld [tilespmem:s1+$0x50]  }
0x2cd: {  	v13 =	vmul.f32 v20, v13;
	v20 =	vld [tilespmem:s1+$0x60]  }
0x2ce: {  	v21 =	vld [tilespmem:s8+$0xFFFFFF80];
	v14 =	vmul.f32 v16, v14  }
0x2cf: {  	v16 =	vld [tilespmem:s8+$0xFFFFFF90];
	v9 =	vmul.f32 v17, v9  }
0x2d0: {  	v17 =	vld [tilespmem:s8+$0xFFFFFFA0];
	v15 =	vmul.f32 v18, v15  }
0x2d1: {  	v18 =	vld [tilespmem:s8+$0xFFFFFFB0];
	v11 =	vmul.f32 v19, v11  }
0x2d2: {  	v19 =	vld [tilespmem:s8+$0xFFFFFFC0];
	v1 =	vmul.f32 v20, v1  }
0x2d3: {  	v10 =	vadd.f32 v21, v10;
	v20 =	vld [tilespmem:s8+$0xFFFFFFD0]  }
0x2d4: {  	v2 =	vadd.f32 v16, v2;
	v16 =	vld [tilespmem:s8+$0xFFFFFFE0]  }
0x2d5: {  	v3 =	vadd.f32 v17, v3;
	v17 =	vld [tilespmem:s8+$0xFFFFFFF0]  }
0x2d6: {  	v4 =	vadd.f32 v18, v4;
	v18 =	vld [tilespmem:s8+$0x0]  }
0x2d7: {  	v5 =	vadd.f32 v19, v5;
	v19 =	vld [tilespmem:s8+$0x10]  }
0x2d8: {  	v6 =	vadd.f32 v20, v6;
	v20 =	vld [tilespmem:s8+$0x20]  }
0x2d9: {  	v7 =	vadd.f32 v16, v7;
	v16 =	vld [tilespmem:s8+$0x30]  }
0x2da: {  	v8 =	vadd.f32 v17, v8;
	v17 =	vld [tilespmem:s8+$0x40]  }
0x2db: {  	v12 =	vadd.f32 v18, v12;
	v18 =	vld [tilespmem:s8+$0x50]  }
0x2dc: {  	v13 =	vadd.f32 v19, v13;
	v19 =	vld [tilespmem:s8+$0x60]  }
0x2dd: {  	v21 =	vld [tilespmem:s0+$0xFFFFFF80];
	v14 =	vadd.f32 v20, v14  }
0x2de: {  	v20 =	vld [tilespmem:s0+$0xFFFFFF90];
	v9 =	vadd.f32 v16, v9  }
0x2df: {  	v16 =	vld [tilespmem:s0+$0xFFFFFFA0];
	v15 =	vadd.f32 v17, v15  }
0x2e0: {  	v17 =	vld [tilespmem:s0+$0xFFFFFFB0];
	v11 =	vadd.f32 v18, v11  }
0x2e1: {  	v18 =	vld [tilespmem:s0+$0xFFFFFFC0];
	v1 =	vadd.f32 v19, v1  }
0x2e2: {  	v19 =	vld [tilespmem:s0+$0xFFFFFFD0]  }
0x2e3: {  	v22 =	vld [tilespmem:s0+$0xFFFFFFE0]  }
0x2e4: {  	v23 =	vld [tilespmem:s0+$0xFFFFFFF0]  }
0x2e5: {  	v24 =	vld [tilespmem:s0+$0x0]  }
0x2e6: {  	v25 =	vld [tilespmem:s0+$0x10]  }
0x2e7: {  	v26 =	vld [tilespmem:s0+$0x20]  }
0x2e8: {  	v27 =	vld [tilespmem:s0+$0x30]  }
0x2e9: {  	v28 =	vld [tilespmem:s0+$0x40]  }
0x2ea: {  	v29 =	vld [tilespmem:s0+$0x50]  }
0x2eb: {  	v30 =	vld [tilespmem:s0+$0x60]  }
0x2ec: {  	[tilespmem:v21+s26+$0x0] =	vst.idx.add.f32.msk $0xffff, v10  }
0x2ed: {  	[tilespmem:v20+s26+$0x0] =	vst.idx.add.f32.msk $0xffff, v2  }
0x2ee: {  	[tilespmem:v16+s26+$0x0] =	vst.idx.add.f32.msk $0xffff, v3  }
0x2ef: {  	[tilespmem:v17+s26+$0x0] =	vst.idx.add.f32.msk $0xffff, v4  }
0x2f0: {  	[tilespmem:v18+s26+$0x0] =	vst.idx.add.f32.msk $0xffff, v5  }
0x2f1: {  	[tilespmem:v19+s26+$0x0] =	vst.idx.add.f32.msk $0xffff, v6  }
0x2f2: {  	[tilespmem:v22+s26+$0x0] =	vst.idx.add.f32.msk $0xffff, v7  }
0x2f3: {  	[tilespmem:v23+s26+$0x0] =	vst.idx.add.f32.msk $0xffff, v8  }
0x2f4: {  	[tilespmem:v24+s26+$0x0] =	vst.idx.add.f32.msk $0xffff, v12  }
0x2f5: {  	[tilespmem:v25+s26+$0x0] =	vst.idx.add.f32.msk $0xffff, v13  }
.Ltmp4:
0x2f6: {  	[tilespmem:v26+s26+$0x0] =	vst.idx.add.f32.msk $0xffff, v14;
	(pc) =	sbr.rel @p0 .LBB2_10-.Ltmp4, $4  }
0x2f7: {  	[tilespmem:v27+s26+$0x0] =	vst.idx.add.f32.msk $0xffff, v9  }
0x2f8: {  	[tilespmem:v28+s26+$0x0] =	vst.idx.add.f32.msk $0xffff, v15  }
0x2f9: {  	[tilespmem:v29+s26+$0x0] =	vst.idx.add.f32.msk $0xffff, v11  }
0x2fa: {  	s10 =	sadd.s32 $0x100, s10;
	[tilespmem:v30+s26+$0x0] =	vst.idx.add.f32.msk $0xffff, v1  }
0x2fb: {  	s0 =	rddreg [dreg:$0xa]  }
0x2fc: {  	[hbm4b:s0+s3] =	stream.linear.scatter [tilespmem:s26], [sflag:$0x3], $0x1880, $0x38;
	[tilespmem:$0x1AF80] =	vst v63  }
0x2fd: {  	_ =	swait.ge [sflag:s14], $0x1880  }
0x2fe: {  	[sflag:s14] =	ssyncset.done $0x0  }
0x2ff: {  	s1 =	simm.s32 $0xDC00;
	s10 =	rddreg [dreg:$0xb];
	[sflag:s14] =	ssyncadd.s32 $0xFFFFE780  }
0x300: {  	[hbm4b:s10+s3] =	stream.linear.scatter [tilespmem:s1], [sflag:$0x3], $0x1880, $0x38;
	[tilespmem:$0x1AF80] =	vst v63  }
0x301: {  	_ =	swait.ge [sflag:s14], $0x1880  }
0x302: {  	[sflag:s14] =	ssyncset.done $0x0  }
0x303: {  	s31 =	simm.s32 $0xF480;
	s30 =	rddreg [dreg:$0xc];
	[sflag:s14] =	ssyncadd.s32 $0xFFFFE780  }
0x304: {  	[hbm4b:s30+s3] =	stream.linear.scatter [tilespmem:s31], [sflag:$0x3], $0x1880, $0x38;
	[tilespmem:$0x1AF80] =	vst v63  }
0x305: {  	_ =	swait.ge [sflag:s14], $0x1880  }
0x306: {  	[sflag:s14] =	ssyncset.done $0x0  }
0x307: {  	s8 =	simm.s32 $0x10D00;
	s1 =	rddreg [dreg:$0xd];
	[sflag:s14] =	ssyncadd.s32 $0xFFFFE780  }
0x308: {  	[hbm4b:s1+s3] =	stream.linear.scatter [tilespmem:s8], [sflag:$0x3], $0x1880, $0x38;
	[tilespmem:$0x1AF80] =	vst v63  }
0x309: {  	_ =	swait.ge [sflag:s14], $0x1880  }
0x30a: {  	[sflag:s14] =	ssyncset.done $0x0  }
0x30b: {  	s10 =	simm.s32 $0x12580;
	s9 =	rddreg [dreg:$0xe];
	[sflag:s14] =	ssyncadd.s32 $0xFFFFE780  }
0x30c: {  	[hbm4b:s9+s3] =	stream.linear.scatter [tilespmem:s10], [sflag:$0x3], $0x1880, $0x38;
	[tilespmem:$0x1AF80] =	vst v63  }
0x30d: {  	_ =	swait.ge [sflag:s14], $0x1880  }
0x30e: {  	[sflag:s14] =	ssyncset.done $0x0  }
0x30f: {  	s31 =	simm.s32 $0x13E00;
	s30 =	rddreg [dreg:$0xf];
	[sflag:s14] =	ssyncadd.s32 $0xFFFFE780  }
0x310: {  	[hbm4b:s30+s3] =	stream.linear.scatter [tilespmem:s31], [sflag:$0x3], $0x1880, $0x38;
	[tilespmem:$0x1AF80] =	vst v63  }
0x311: {  	_ =	swait.ge [sflag:s14], $0x1880  }
0x312: {  	[sflag:s14] =	ssyncset.done $0x0  }
0x313: {  	s9 =	simm.s32 $0x15680;
	s8 =	rddreg [dreg:$0x10];
	[sflag:s14] =	ssyncadd.s32 $0xFFFFE780  }
0x314: {  	[hbm4b:s8+s3] =	stream.linear.scatter [tilespmem:s9], [sflag:$0x3], $0x1880, $0x38;
	[tilespmem:$0x1AF80] =	vst v63  }
0x315: {  	_ =	swait.ge [sflag:s14], $0x1880  }
0x316: {  	[sflag:s14] =	ssyncset.done $0x0  }
0x317: {  	s30 =	simm.s32 $0x16F00;
	s10 =	rddreg [dreg:$0x11];
	[sflag:s14] =	ssyncadd.s32 $0xFFFFE780  }
0x318: {  	[hbm4b:s10+s3] =	stream.linear.scatter [tilespmem:s30], [sflag:$0x3], $0x1880, $0x38;
	[tilespmem:$0x1AF80] =	vst v63  }
0x319: {  	_ =	swait.ge [sflag:s14], $0x1880  }
0x31a: {  	s29 =	sadd.s32 $0x1, s29;
	s31 =	rddreg [dreg:$0x12]  }
0x31b: {  	p0 =	sne.s32 s29, s31  }
.Ltmp5:
0x31c: {  	_ = 	snop;
	(pc) =	sbr.rel @p0 .LBB2_1-.Ltmp5, $3  }
0x31d: {  	_ =	sdelay $0x1  }
0x31e: {  	[sflag:s14] =	ssyncset.done $0x0  }
0x31f: {  	[sflag:s14] =	ssyncadd.s32 $0xFFFFE780  }
0x320: {  	_ =	sfence.sel $0x180000  }
0x321: {  	[bflag:$0x0] =	sbarrier.arrive $0xFFFF  }
0x322: {  	_ =	strace $0x90000047  }
0x323: {  	s0 =	stileid.u32;
	[bflag:$0x2] =	sbarrier.arrive $0xFFFF  }
0x324: {  	p0 =	sne.s32 s0, $0x0;
	s0 =	rddreg [dreg:$0x2]  }
0x325: {  	s0 =	sadd.s32 @!p0 $0x100000, s0  }
0x326: {  	[sflag:s0] =	ssyncadd.tile.s32 @!p0 $0x1;
	_ =	shalt  }
.Lfunc_end2:
_tile_overlayer_lowered:
.L_overlay_start_2:
0x327: {  	(tag) =	ssettag $0x2  }
0x328: {  	s0 =	rddreg [dreg:$0x0];
	s2 =	stileid.u32  }
0x329: {  	s1 =	rddreg [dreg:$0x1];
	p0 =	sne.s32 s2, $0x0  }
0x32a: {  	s3 =	rddreg [dreg:$0x2];
	[bflag:$0x3] =	sbarrier.arrive $0xFFFF;
	s2 =	simm.s32 @!p0 $0x1C03  }
0x32b: {  	[timem:s3], [sflag:s2] =	dma.local @!p0 [hbm:s0], s1  }
0x32c: {  	s0 =	simm.s32 @!p0 $0x3  }
0x32d: {  	_ =	swait.ge @!p0 [sflag:s0], s1  }
0x32e: {  	s1 =	ssub.s32 @!p0 $0x0, s1;
	[sflag:s0] =	ssyncset.done @!p0 $0x0  }
0x32f: {  	[sflag:s0] =	ssyncadd.s32 @!p0 s1  }
0x330: {  	[bflag:$0x3] =	sbarrier.arrive $0xFFFF  }
0x331: {  	_ =	shalt  }

</sc_bundles>
